<compile_context>
chip_gen: v7x
topology: tpu7x:2x2x1
jax: 0.10.2.dev20260603
libtpu: 0.0.44.dev20260713+nightly
codegen_flags: <defaults>
</compile_context>

<pallas_src>
import jax
import jax.numpy as jnp
from jax import lax
from jax.experimental import pallas as pl
from jax.experimental.pallas import tpu as pltpu
from jax.experimental.pallas import tpu_sc as plsc

NUM_USER = 5000
NUM_ITEM = 5000
D = 128
E = 320000
NC = 2
NS = 16
NW = NC * NS
EPW = E // NW
CHUNK = 80
NITER = EPW // CHUNK
ZROWS = 200
NZCH = NUM_ITEM // ZROWS


def _phase1_body(user_hbm, src_hbm, dst_hbm, zs_hbm,
                 psum_hbm, pcnt_hbm,
                 is0, is1, id0, id1, rows0, rows1, ones_v,
                 acc, cnt, sem, semi):
    cid = lax.axis_index("c")
    sid = lax.axis_index("s")
    wid = sid * NC + cid

    def fill_i(i, _):
        for g in range(D // 16):
            ones_v[i, pl.ds(g * 16, 16)] = jnp.full((16,), 1.0, jnp.float32)
        return _

    lax.fori_loop(0, CHUNK, fill_i, None)

    def zero_k(k, _):
        ch = sid + NS * k

        @pl.when(ch < NZCH)
        def _():
            pltpu.sync_copy(zs_hbm, acc.at[pl.ds(ch * ZROWS, ZROWS), :])
            pltpu.sync_copy(zs_hbm, cnt.at[pl.ds(ch * ZROWS, ZROWS), :])
        return _

    lax.fori_loop(0, (NZCH + NS - 1) // NS, zero_k, None)
    plsc.subcore_barrier()

    def scat(idb, rbuf):
        pltpu.sync_copy(rbuf, acc.at[idb], add=True)
        pltpu.sync_copy(ones_v, cnt.at[idb], add=True)

    def gath(isb, rbuf):
        pltpu.async_copy(user_hbm.at[isb], rbuf, sem)

    def gwait(isb, rbuf):
        pltpu.make_async_copy(user_hbm.at[isb], rbuf, sem).wait()

    def isl(j):
        return pl.ds(wid * EPW + j * CHUNK, CHUNK)

    def idx_stage(j, isb, idb):
        pltpu.async_copy(src_hbm.at[isl(j)], isb, semi)
        pltpu.async_copy(dst_hbm.at[isl(j)], idb, semi)

    def idx_wait(j, isb, idb):
        pltpu.make_async_copy(src_hbm.at[isl(j)], isb, semi).wait()
        pltpu.make_async_copy(dst_hbm.at[isl(j)], idb, semi).wait()

    pltpu.sync_copy(src_hbm.at[isl(0)], is0)
    pltpu.sync_copy(dst_hbm.at[isl(0)], id0)
    gath(is0, rows0)
    idx_stage(1, is1, id1)

    def edge_g(g, _):
        j = 2 * g
        gwait(is0, rows0)
        idx_wait(j + 1, is1, id1)
        gath(is1, rows1)
        scat(id0, rows0)

        @pl.when(j + 2 < NITER)
        def _():
            idx_stage(j + 2, is0, id0)
        gwait(is1, rows1)

        @pl.when(j + 2 < NITER)
        def _():
            idx_wait(j + 2, is0, id0)
            gath(is0, rows0)
        scat(id1, rows1)

        @pl.when(j + 3 < NITER)
        def _():
            idx_stage(j + 3, is1, id1)
        return _

    lax.fori_loop(0, (NITER - 1) // 2, edge_g, None)
    gwait(is0, rows0)
    scat(id0, rows0)

    plsc.subcore_barrier()

    def dump_k(k, _):
        ch = sid + NS * k

        @pl.when(ch < NZCH)
        def _():
            sl = pl.ds(ch * ZROWS, ZROWS)
            pltpu.sync_copy(acc.at[sl, :], psum_hbm.at[cid, sl, :])
            pltpu.sync_copy(cnt.at[sl, :], pcnt_hbm.at[cid, sl, :])
        return _

    lax.fori_loop(0, (NZCH + NS - 1) // NS, dump_k, None)


MROWS = 1000


def _merge_tc_body(ps_ref, pc_ref, o_ref):
    s = ps_ref[0] + ps_ref[1]
    c = jnp.maximum(pc_ref[0] + pc_ref[1], 1.0)
    o_ref[...] = s / c


def kernel(user_table, item_table, edge_index):
    del item_table
    src = edge_index[0]
    dst = edge_index[1]
    zs = jnp.zeros((ZROWS, D), jnp.float32)

    mesh = plsc.VectorSubcoreMesh(core_axis_name="c", subcore_axis_name="s")
    phase1 = pl.kernel(
        _phase1_body,
        mesh=mesh,
        out_type=(
            jax.ShapeDtypeStruct((NC, NUM_ITEM, D), jnp.float32),
            jax.ShapeDtypeStruct((NC, NUM_ITEM, D), jnp.float32),
        ),
        scratch_types=[
            pltpu.VMEM((CHUNK,), jnp.int32),
            pltpu.VMEM((CHUNK,), jnp.int32),
            pltpu.VMEM((CHUNK,), jnp.int32),
            pltpu.VMEM((CHUNK,), jnp.int32),
            pltpu.VMEM((CHUNK, D), jnp.float32),
            pltpu.VMEM((CHUNK, D), jnp.float32),
            pltpu.VMEM((CHUNK, D), jnp.float32),
            pltpu.VMEM_SHARED((NUM_ITEM, D), jnp.float32),
            pltpu.VMEM_SHARED((NUM_ITEM, D), jnp.float32),
            pltpu.SemaphoreType.DMA,
            pltpu.SemaphoreType.DMA,
        ],
    )
    psum, pcnt = phase1(user_table, src, dst, zs)

    merge = pl.pallas_call(
        _merge_tc_body,
        grid=(NUM_ITEM // MROWS,),
        in_specs=[
            pl.BlockSpec((NC, MROWS, D), lambda i: (0, i, 0)),
            pl.BlockSpec((NC, MROWS, D), lambda i: (0, i, 0)),
        ],
        out_specs=pl.BlockSpec((MROWS, D), lambda i: (i, 0)),
        out_shape=jax.ShapeDtypeStruct((NUM_ITEM, D), jnp.float32),
    )
    return merge(psum, pcnt)

# --- scband reference (transcript-rebuilt; emitter-appended) ---
"""Pipeline reference for scband-ngcf-4449586119373 (READ-ONLY COPY).

The authoritative reference and input builder live on the scoring server;
editing this copy changes nothing except your own understanding.
"""

import jax, jax.numpy as jnp
import numpy as np

NUM_USER = 5000
NUM_ITEM = 5000
EMBED_DIM = 128
N_EDGES = 320000
NHIDDENS = [128, 128, 128]


def setup_inputs(seed: int = 0) -> dict:
    key = jax.random.key(seed)
    k1, k2, k3 = jax.random.split(key, 3)
    # init_func: nn.init.uniform_(embed, -0.001, 0.001)
    user_table = jax.random.uniform(k1, (NUM_USER, EMBED_DIM), minval=-0.001, maxval=0.001, dtype=jnp.float32)
    item_table = jax.random.uniform(k2, (NUM_ITEM, EMBED_DIM), minval=-0.001, maxval=0.001, dtype=jnp.float32)
    # bipartite 'checkin' edges: row 0 = user src ids, row 1 = item dst ids
    edge_index = jax.random.randint(k3, (2, N_EDGES), 0, NUM_USER, dtype=jnp.int32)
    return {"user_table": user_table, "item_table": item_table, "edge_index": edge_index}


def reference(user_table, item_table, edge_index):
    # NGCF.forward: vecs = {'user': user_embed(all users), 'item': item_embed(all items)}
    # Each HeteroGraphConv layer wraps SAGEConv(norm='mean', weight=False, bias=False)
    # on edge type 'checkin' (user -> item): item_out = mean over incoming user feats.
    # NOTE: original code feeds `vecs` (not `x`) into every conv layer, so each layer
    # recomputes from the raw embeddings; we reproduce that faithfully.
    vecs = {"user": user_table, "item": item_table}
    src = edge_index[0]
    dst = edge_index[1]
    n_layers = len(NHIDDENS) - 1
    x = vecs
    for l in range(n_layers):
        msgs = jnp.take(vecs["user"], src, axis=0)  # gather [E, d]
        summed = jax.ops.segment_sum(msgs, dst, num_segments=NUM_ITEM)  # scatter-add
        cnt = jax.ops.segment_sum(jnp.ones((N_EDGES,), jnp.float32), dst, num_segments=NUM_ITEM)
        item_out = summed / jnp.maximum(cnt, 1.0)[:, None]  # mean aggregation
        x = {"item": item_out}
        if l != n_layers - 1:
            x = {k: jax.nn.leaky_relu(v, negative_slope=0.01) for k, v in x.items()}
    return x["item"]

if __name__ == "__main__":
    import jax
    _d = setup_inputs()
    print(jax.jit(kernel)(*tuple(_d.values())))

</pallas_src>

<mosaic_0001>
#map = affine_map<(d0, d1) -> (0, 0)>
#map1 = affine_map<(d0, d1) -> (0)>
#map2 = affine_map<(d0, d1) -> (0, 0, 0)>
module attributes {stable_mosaic.version = 14 : i64} {
  func.func @_phase1_body(%arg0: i32, %arg1: i32, %arg2: memref<5000x128xf32, #tpu.memory_space<hbm>>, %arg3: memref<320000xi32, #tpu.memory_space<hbm>>, %arg4: memref<320000xi32, #tpu.memory_space<hbm>>, %arg5: memref<200x128xf32, #tpu.memory_space<hbm>>, %arg6: memref<2x5000x128xf32, #tpu.memory_space<hbm>>, %arg7: memref<2x5000x128xf32, #tpu.memory_space<hbm>>, %arg8: memref<80xi32, #tpu.memory_space<vmem>>, %arg9: memref<80xi32, #tpu.memory_space<vmem>>, %arg10: memref<80xi32, #tpu.memory_space<vmem>>, %arg11: memref<80xi32, #tpu.memory_space<vmem>>, %arg12: memref<80x128xf32, #tpu.memory_space<vmem>>, %arg13: memref<80x128xf32, #tpu.memory_space<vmem>>, %arg14: memref<80x128xf32, #tpu.memory_space<vmem>>, %arg15: memref<5000x128xf32, #tpu.memory_space<vmem_shared>>, %arg16: memref<5000x128xf32, #tpu.memory_space<vmem_shared>>, %arg17: memref<!tpu.dma_semaphore, #tpu.memory_space<semaphore_mem>>, %arg18: memref<!tpu.dma_semaphore, #tpu.memory_space<semaphore_mem>>) attributes {dimension_semantics = [#tpu.dimension_semantics<core_parallel>, #tpu.dimension_semantics<subcore_parallel>], iteration_bounds = array<i64: 2, 16>, scalar_prefetch = 0 : i64, scratch_operands = 11 : i64, tpu.core_type = #tpu.core_type<sc_vector_subcore>, window_params = [{transform_indices = #map}, {transform_indices = #map1}, {transform_indices = #map1}, {transform_indices = #map}, {transform_indices = #map2}, {transform_indices = #map2}]} {
    %mul3A = arith.constant 2 : i32
    %mul3A_0 = arith.muli %arg1, %mul3A : i32
    %add3A = arith.addi %mul3A_0, %arg0 : i32
    %scan3A = arith.constant 0 : i32
    %scan3A_1 = arith.constant 80 : i32
    %scan3A_2 = arith.addi %scan3A, %scan3A_1 : i32
    %scan3A_3 = arith.constant 1 : i32
    scf.for %scan3A_45 = %scan3A to %scan3A_2 step %scan3A_3  : i32 {
      %broadcast_in_dim3A = arith.constant 1.000000e+00 : f32
      %broadcast_in_dim3A_46 = vector.broadcast %broadcast_in_dim3A : f32 to vector<16xf32>
      %swap3A = arith.index_cast %scan3A_45 : i32 to index
      %swap3A_47 = arith.constant 0 : index
      %swap3A_48 = tpu.vector_load %arg14[%swap3A, %swap3A_47] {strides = array<i32>} : memref<80x128xf32, #tpu.memory_space<vmem>>, vector<1x16xf32>,
      %swap3A_49 = vector.shape_cast %swap3A_48 : vector<1x16xf32> to vector<16xf32>
      %swap3A_50 = vector.shape_cast %broadcast_in_dim3A_46 : vector<16xf32> to vector<1x16xf32>
      tpu.vector_store %arg14[%swap3A, %swap3A_47], %swap3A_50 {strides = array<i32>} : memref<80x128xf32, #tpu.memory_space<vmem>>, vector<1x16xf32>,
      %broadcast_in_dim3A_51 = arith.constant 1.000000e+00 : f32
      %broadcast_in_dim3A_52 = vector.broadcast %broadcast_in_dim3A_51 : f32 to vector<16xf32>
      %swap3A_53 = arith.index_cast %scan3A_45 : i32 to index
      %swap3A_54 = arith.constant 16 : index
      %swap3A_55 = tpu.vector_load %arg14[%swap3A_53, %swap3A_54] {strides = array<i32>} : memref<80x128xf32, #tpu.memory_space<vmem>>, vector<1x16xf32>,
      %swap3A_56 = vector.shape_cast %swap3A_55 : vector<1x16xf32> to vector<16xf32>
      %swap3A_57 = vector.shape_cast %broadcast_in_dim3A_52 : vector<16xf32> to vector<1x16xf32>
      tpu.vector_store %arg14[%swap3A_53, %swap3A_54], %swap3A_57 {strides = array<i32>} : memref<80x128xf32, #tpu.memory_space<vmem>>, vector<1x16xf32>,
      %broadcast_in_dim3A_58 = arith.constant 1.000000e+00 : f32
      %broadcast_in_dim3A_59 = vector.broadcast %broadcast_in_dim3A_58 : f32 to vector<16xf32>
      %swap3A_60 = arith.index_cast %scan3A_45 : i32 to index
      %swap3A_61 = arith.constant 32 : index
      %swap3A_62 = tpu.vector_load %arg14[%swap3A_60, %swap3A_61] {strides = array<i32>} : memref<80x128xf32, #tpu.memory_space<vmem>>, vector<1x16xf32>,
      %swap3A_63 = vector.shape_cast %swap3A_62 : vector<1x16xf32> to vector<16xf32>
      %swap3A_64 = vector.shape_cast %broadcast_in_dim3A_59 : vector<16xf32> to vector<1x16xf32>
      tpu.vector_store %arg14[%swap3A_60, %swap3A_61], %swap3A_64 {strides = array<i32>} : memref<80x128xf32, #tpu.memory_space<vmem>>, vector<1x16xf32>,
      %broadcast_in_dim3A_65 = arith.constant 1.000000e+00 : f32
      %broadcast_in_dim3A_66 = vector.broadcast %broadcast_in_dim3A_65 : f32 to vector<16xf32>
      %swap3A_67 = arith.index_cast %scan3A_45 : i32 to index
      %swap3A_68 = arith.constant 48 : index
      %swap3A_69 = tpu.vector_load %arg14[%swap3A_67, %swap3A_68] {strides = array<i32>} : memref<80x128xf32, #tpu.memory_space<vmem>>, vector<1x16xf32>,
      %swap3A_70 = vector.shape_cast %swap3A_69 : vector<1x16xf32> to vector<16xf32>
      %swap3A_71 = vector.shape_cast %broadcast_in_dim3A_66 : vector<16xf32> to vector<1x16xf32>
      tpu.vector_store %arg14[%swap3A_67, %swap3A_68], %swap3A_71 {strides = array<i32>} : memref<80x128xf32, #tpu.memory_space<vmem>>, vector<1x16xf32>,
      %broadcast_in_dim3A_72 = arith.constant 1.000000e+00 : f32
      %broadcast_in_dim3A_73 = vector.broadcast %broadcast_in_dim3A_72 : f32 to vector<16xf32>
      %swap3A_74 = arith.index_cast %scan3A_45 : i32 to index
      %swap3A_75 = arith.constant 64 : index
      %swap3A_76 = tpu.vector_load %arg14[%swap3A_74, %swap3A_75] {strides = array<i32>} : memref<80x128xf32, #tpu.memory_space<vmem>>, vector<1x16xf32>,
      %swap3A_77 = vector.shape_cast %swap3A_76 : vector<1x16xf32> to vector<16xf32>
      %swap3A_78 = vector.shape_cast %broadcast_in_dim3A_73 : vector<16xf32> to vector<1x16xf32>
      tpu.vector_store %arg14[%swap3A_74, %swap3A_75], %swap3A_78 {strides = array<i32>} : memref<80x128xf32, #tpu.memory_space<vmem>>, vector<1x16xf32>,
      %broadcast_in_dim3A_79 = arith.constant 1.000000e+00 : f32
      %broadcast_in_dim3A_80 = vector.broadcast %broadcast_in_dim3A_79 : f32 to vector<16xf32>
      %swap3A_81 = arith.index_cast %scan3A_45 : i32 to index
      %swap3A_82 = arith.constant 80 : index
      %swap3A_83 = tpu.vector_load %arg14[%swap3A_81, %swap3A_82] {strides = array<i32>} : memref<80x128xf32, #tpu.memory_space<vmem>>, vector<1x16xf32>,
      %swap3A_84 = vector.shape_cast %swap3A_83 : vector<1x16xf32> to vector<16xf32>
      %swap3A_85 = vector.shape_cast %broadcast_in_dim3A_80 : vector<16xf32> to vector<1x16xf32>
      tpu.vector_store %arg14[%swap3A_81, %swap3A_82], %swap3A_85 {strides = array<i32>} : memref<80x128xf32, #tpu.memory_space<vmem>>, vector<1x16xf32>,
      %broadcast_in_dim3A_86 = arith.constant 1.000000e+00 : f32
      %broadcast_in_dim3A_87 = vector.broadcast %broadcast_in_dim3A_86 : f32 to vector<16xf32>
      %swap3A_88 = arith.index_cast %scan3A_45 : i32 to index
      %swap3A_89 = arith.constant 96 : index
      %swap3A_90 = tpu.vector_load %arg14[%swap3A_88, %swap3A_89] {strides = array<i32>} : memref<80x128xf32, #tpu.memory_space<vmem>>, vector<1x16xf32>,
      %swap3A_91 = vector.shape_cast %swap3A_90 : vector<1x16xf32> to vector<16xf32>
      %swap3A_92 = vector.shape_cast %broadcast_in_dim3A_87 : vector<16xf32> to vector<1x16xf32>
      tpu.vector_store %arg14[%swap3A_88, %swap3A_89], %swap3A_92 {strides = array<i32>} : memref<80x128xf32, #tpu.memory_space<vmem>>, vector<1x16xf32>,
      %broadcast_in_dim3A_93 = arith.constant 1.000000e+00 : f32
      %broadcast_in_dim3A_94 = vector.broadcast %broadcast_in_dim3A_93 : f32 to vector<16xf32>
      %swap3A_95 = arith.index_cast %scan3A_45 : i32 to index
      %swap3A_96 = arith.constant 112 : index
      %swap3A_97 = tpu.vector_load %arg14[%swap3A_95, %swap3A_96] {strides = array<i32>} : memref<80x128xf32, #tpu.memory_space<vmem>>, vector<1x16xf32>,
      %swap3A_98 = vector.shape_cast %swap3A_97 : vector<1x16xf32> to vector<16xf32>
      %swap3A_99 = vector.shape_cast %broadcast_in_dim3A_94 : vector<16xf32> to vector<1x16xf32>
      tpu.vector_store %arg14[%swap3A_95, %swap3A_96], %swap3A_99 {strides = array<i32>} : memref<80x128xf32, #tpu.memory_space<vmem>>, vector<1x16xf32>,
    }
    %scan3A_4 = arith.constant 80 : i32
    %scan3A_5 = arith.constant 0 : i32
    %scan3A_6 = arith.constant 2 : i32
    %scan3A_7 = arith.addi %scan3A_5, %scan3A_6 : i32
    %scan3A_8 = arith.constant 1 : i32
    scf.for %scan3A_45 = %scan3A_5 to %scan3A_7 step %scan3A_8  : i32 {
      %mul3A_46 = arith.constant 16 : i32
      %mul3A_47 = arith.muli %mul3A_46, %scan3A_45 : i32
      %add3A_48 = arith.addi %arg1, %mul3A_47 : i32
      %lt3A = arith.constant 25 : i32
      %lt3A_49 = arith.cmpi slt, %add3A_48, %lt3A : i32
      %convert_element_type3A = arith.extui %lt3A_49 : i1 to i32
      %cond3A = arith.constant 0 : i32
      %cond3A_50 = arith.cmpi ne, %convert_element_type3A, %cond3A : i32
      scf.if %cond3A_50 {
        %mul3A_51 = arith.constant 200 : i32
        %mul3A_52 = arith.muli %add3A_48, %mul3A_51 : i32
        "tpu.region"() ({
          %run_scoped3A = tpu.sem_alloc : memref<!tpu.dma_semaphore, #tpu.memory_space<semaphore_mem>>
          %dma_start3A_55 = arith.constant 0 : i32
          %dma_start3A_56 = tpu.memref_slice %arg15[%mul3A_52, %dma_start3A_55] : memref<5000x128xf32, #tpu.memory_space<vmem_shared>> -> memref<200x128xf32, #tpu.memory_space<vmem_shared>>
          tpu.enqueue_dma source(%arg5 : memref<200x128xf32, #tpu.memory_space<hbm>>) target(%dma_start3A_56 : memref<200x128xf32, #tpu.memory_space<vmem_shared>>) target_semaphore(%run_scoped3A : memref<!tpu.dma_semaphore, #tpu.memory_space<semaphore_mem>>)
          %dma_wait3A_57 = arith.constant 0 : i32
          %dma_wait3A_58 = tpu.memref_slice %arg15[%mul3A_52, %dma_wait3A_57] : memref<5000x128xf32, #tpu.memory_space<vmem_shared>> -> memref<200x128xf32, #tpu.memory_space<vmem_shared>>
          tpu.wait_dma2 semaphore(%run_scoped3A : memref<!tpu.dma_semaphore, #tpu.memory_space<semaphore_mem>>) src(%arg5 : memref<200x128xf32, #tpu.memory_space<hbm>>) dst(%dma_wait3A_58 : memref<200x128xf32, #tpu.memory_space<vmem_shared>>)
          tpu.yield
        }) : () -> ()
        %mul3A_53 = arith.constant 200 : i32
        %mul3A_54 = arith.muli %add3A_48, %mul3A_53 : i32
        "tpu.region"() ({
          %run_scoped3A = tpu.sem_alloc : memref<!tpu.dma_semaphore, #tpu.memory_space<semaphore_mem>>
          %dma_start3A_55 = arith.constant 0 : i32
          %dma_start3A_56 = tpu.memref_slice %arg16[%mul3A_54, %dma_start3A_55] : memref<5000x128xf32, #tpu.memory_space<vmem_shared>> -> memref<200x128xf32, #tpu.memory_space<vmem_shared>>
          tpu.enqueue_dma source(%arg5 : memref<200x128xf32, #tpu.memory_space<hbm>>) target(%dma_start3A_56 : memref<200x128xf32, #tpu.memory_space<vmem_shared>>) target_semaphore(%run_scoped3A : memref<!tpu.dma_semaphore, #tpu.memory_space<semaphore_mem>>)
          %dma_wait3A_57 = arith.constant 0 : i32
          %dma_wait3A_58 = tpu.memref_slice %arg16[%mul3A_54, %dma_wait3A_57] : memref<5000x128xf32, #tpu.memory_space<vmem_shared>> -> memref<200x128xf32, #tpu.memory_space<vmem_shared>>
          tpu.wait_dma2 semaphore(%run_scoped3A : memref<!tpu.dma_semaphore, #tpu.memory_space<semaphore_mem>>) src(%arg5 : memref<200x128xf32, #tpu.memory_space<hbm>>) dst(%dma_wait3A_58 : memref<200x128xf32, #tpu.memory_space<vmem_shared>>)
          tpu.yield
        }) : () -> ()
      } else {
      }
    }
    %scan3A_9 = arith.constant 2 : i32
    %barrier3A = arith.constant 0 : index
    tpu.barrier barrier_id(%barrier3A)
    %mul3A_10 = arith.constant 10000 : i32
    %mul3A_11 = arith.muli %add3A, %mul3A_10 : i32
    %add3A_12 = arith.constant 0 : i32
    %add3A_13 = arith.addi %mul3A_11, %add3A_12 : i32
    "tpu.region"() ({
      %run_scoped3A = tpu.sem_alloc : memref<!tpu.dma_semaphore, #tpu.memory_space<semaphore_mem>>
      %dma_start3A_45 = tpu.memref_slice %arg3[%add3A_13] : memref<320000xi32, #tpu.memory_space<hbm>> -> memref<80xi32, #tpu.memory_space<hbm>>
      %dma_start3A_46 = tpu.memref_slice %arg3[%add3A_13] : memref<320000xi32, #tpu.memory_space<hbm>> -> memref<80xi32, #tpu.memory_space<hbm>>
      tpu.enqueue_dma source(%dma_start3A_46 : memref<80xi32, #tpu.memory_space<hbm>>) target(%arg8 : memref<80xi32, #tpu.memory_space<vmem>>) target_semaphore(%run_scoped3A : memref<!tpu.dma_semaphore, #tpu.memory_space<semaphore_mem>>)
      %dma_wait3A_47 = tpu.memref_slice %arg3[%add3A_13] : memref<320000xi32, #tpu.memory_space<hbm>> -> memref<80xi32, #tpu.memory_space<hbm>>
      %dma_wait3A_48 = tpu.memref_slice %arg3[%add3A_13] : memref<320000xi32, #tpu.memory_space<hbm>> -> memref<80xi32, #tpu.memory_space<hbm>>
      tpu.wait_dma2 semaphore(%run_scoped3A : memref<!tpu.dma_semaphore, #tpu.memory_space<semaphore_mem>>) src(%dma_wait3A_48 : memref<80xi32, #tpu.memory_space<hbm>>) dst(%arg8 : memref<80xi32, #tpu.memory_space<vmem>>)
      tpu.yield
    }) : () -> ()
    %mul3A_14 = arith.constant 10000 : i32
    %mul3A_15 = arith.muli %add3A, %mul3A_14 : i32
    %add3A_16 = arith.constant 0 : i32
    %add3A_17 = arith.addi %mul3A_15, %add3A_16 : i32
    "tpu.region"() ({
      %run_scoped3A = tpu.sem_alloc : memref<!tpu.dma_semaphore, #tpu.memory_space<semaphore_mem>>
      %dma_start3A_45 = tpu.memref_slice %arg4[%add3A_17] : memref<320000xi32, #tpu.memory_space<hbm>> -> memref<80xi32, #tpu.memory_space<hbm>>
      %dma_start3A_46 = tpu.memref_slice %arg4[%add3A_17] : memref<320000xi32, #tpu.memory_space<hbm>> -> memref<80xi32, #tpu.memory_space<hbm>>
      tpu.enqueue_dma source(%dma_start3A_46 : memref<80xi32, #tpu.memory_space<hbm>>) target(%arg10 : memref<80xi32, #tpu.memory_space<vmem>>) target_semaphore(%run_scoped3A : memref<!tpu.dma_semaphore, #tpu.memory_space<semaphore_mem>>)
      %dma_wait3A_47 = tpu.memref_slice %arg4[%add3A_17] : memref<320000xi32, #tpu.memory_space<hbm>> -> memref<80xi32, #tpu.memory_space<hbm>>
      %dma_wait3A_48 = tpu.memref_slice %arg4[%add3A_17] : memref<320000xi32, #tpu.memory_space<hbm>> -> memref<80xi32, #tpu.memory_space<hbm>>
      tpu.wait_dma2 semaphore(%run_scoped3A : memref<!tpu.dma_semaphore, #tpu.memory_space<semaphore_mem>>) src(%dma_wait3A_48 : memref<80xi32, #tpu.memory_space<hbm>>) dst(%arg10 : memref<80xi32, #tpu.memory_space<vmem>>)
      tpu.yield
    }) : () -> ()
    %dma_start3A = arith.constant 0 : i32
    %dma_start3A_18 = arith.constant 0 : i32
    %dma_start3A_19 = tpu.memref_slice %arg2[%dma_start3A, %dma_start3A_18] : memref<5000x128xf32, #tpu.memory_space<hbm>> -> memref<5000x128xf32, #tpu.memory_space<hbm>>
    tpu.enqueue_indirect_dma source(%dma_start3A_19 : memref<5000x128xf32, #tpu.memory_space<hbm>>) target(%arg12 : memref<80x128xf32, #tpu.memory_space<vmem>>) offsets(%arg8 : memref<80xi32, #tpu.memory_space<vmem>>) semaphore(%arg17 : memref<!tpu.dma_semaphore, #tpu.memory_space<semaphore_mem>>)
    %mul3A_20 = arith.constant 10000 : i32
    %mul3A_21 = arith.muli %add3A, %mul3A_20 : i32
    %add3A_22 = arith.constant 80 : i32
    %add3A_23 = arith.addi %mul3A_21, %add3A_22 : i32
    %dma_start3A_24 = tpu.memref_slice %arg3[%add3A_23] : memref<320000xi32, #tpu.memory_space<hbm>> -> memref<80xi32, #tpu.memory_space<hbm>>
    %dma_start3A_25 = tpu.memref_slice %arg3[%add3A_23] : memref<320000xi32, #tpu.memory_space<hbm>> -> memref<80xi32, #tpu.memory_space<hbm>>
    tpu.enqueue_dma source(%dma_start3A_25 : memref<80xi32, #tpu.memory_space<hbm>>) target(%arg9 : memref<80xi32, #tpu.memory_space<vmem>>) target_semaphore(%arg18 : memref<!tpu.dma_semaphore, #tpu.memory_space<semaphore_mem>>)
    %mul3A_26 = arith.constant 10000 : i32
    %mul3A_27 = arith.muli %add3A, %mul3A_26 : i32
    %add3A_28 = arith.constant 80 : i32
    %add3A_29 = arith.addi %mul3A_27, %add3A_28 : i32
    %dma_start3A_30 = tpu.memref_slice %arg4[%add3A_29] : memref<320000xi32, #tpu.memory_space<hbm>> -> memref<80xi32, #tpu.memory_space<hbm>>
    %dma_start3A_31 = tpu.memref_slice %arg4[%add3A_29] : memref<320000xi32, #tpu.memory_space<hbm>> -> memref<80xi32, #tpu.memory_space<hbm>>
    tpu.enqueue_dma source(%dma_start3A_31 : memref<80xi32, #tpu.memory_space<hbm>>) target(%arg11 : memref<80xi32, #tpu.memory_space<vmem>>) target_semaphore(%arg18 : memref<!tpu.dma_semaphore, #tpu.memory_space<semaphore_mem>>)
    %scan3A_32 = arith.constant 0 : i32
    %scan3A_33 = arith.constant 62 : i32
    %scan3A_34 = arith.addi %scan3A_32, %scan3A_33 : i32
    %scan3A_35 = arith.constant 1 : i32
    scf.for %scan3A_45 = %scan3A_32 to %scan3A_34 step %scan3A_35  : i32 {
      %mul3A_46 = arith.constant 2 : i32
      %mul3A_47 = arith.muli %mul3A_46, %scan3A_45 : i32
      %dma_wait3A_48 = arith.constant 0 : i32
      %dma_wait3A_49 = arith.constant 0 : i32
      %dma_wait3A_50 = tpu.memref_slice %arg2[%dma_wait3A_48, %dma_wait3A_49] : memref<5000x128xf32, #tpu.memory_space<hbm>> -> memref<5000x128xf32, #tpu.memory_space<hbm>>
      tpu.wait_indirect_dma semaphore(%arg17 : memref<!tpu.dma_semaphore, #tpu.memory_space<semaphore_mem>>) src(%dma_wait3A_50 : memref<5000x128xf32, #tpu.memory_space<hbm>>) dst(%arg12 : memref<80x128xf32, #tpu.memory_space<vmem>>)
      %add3A_51 = arith.constant 1 : i32
      %add3A_52 = arith.addi %mul3A_47, %add3A_51 : i32
      %mul3A_53 = arith.constant 10000 : i32
      %mul3A_54 = arith.muli %add3A, %mul3A_53 : i32
      %mul3A_55 = arith.constant 80 : i32
      %mul3A_56 = arith.muli %add3A_52, %mul3A_55 : i32
      %add3A_57 = arith.addi %mul3A_54, %mul3A_56 : i32
      %dma_wait3A_58 = tpu.memref_slice %arg3[%add3A_57] : memref<320000xi32, #tpu.memory_space<hbm>> -> memref<80xi32, #tpu.memory_space<hbm>>
      %dma_wait3A_59 = tpu.memref_slice %arg3[%add3A_57] : memref<320000xi32, #tpu.memory_space<hbm>> -> memref<80xi32, #tpu.memory_space<hbm>>
      tpu.wait_dma2 semaphore(%arg18 : memref<!tpu.dma_semaphore, #tpu.memory_space<semaphore_mem>>) src(%dma_wait3A_59 : memref<80xi32, #tpu.memory_space<hbm>>) dst(%arg9 : memref<80xi32, #tpu.memory_space<vmem>>)
      %mul3A_60 = arith.constant 10000 : i32
      %mul3A_61 = arith.muli %add3A, %mul3A_60 : i32
      %mul3A_62 = arith.constant 80 : i32
      %mul3A_63 = arith.muli %add3A_52, %mul3A_62 : i32
      %add3A_64 = arith.addi %mul3A_61, %mul3A_63 : i32
      %dma_wait3A_65 = tpu.memref_slice %arg4[%add3A_64] : memref<320000xi32, #tpu.memory_space<hbm>> -> memref<80xi32, #tpu.memory_space<hbm>>
      %dma_wait3A_66 = tpu.memref_slice %arg4[%add3A_64] : memref<320000xi32, #tpu.memory_space<hbm>> -> memref<80xi32, #tpu.memory_space<hbm>>
      tpu.wait_dma2 semaphore(%arg18 : memref<!tpu.dma_semaphore, #tpu.memory_space<semaphore_mem>>) src(%dma_wait3A_66 : memref<80xi32, #tpu.memory_space<hbm>>) dst(%arg11 : memref<80xi32, #tpu.memory_space<vmem>>)
      %dma_start3A_67 = arith.constant 0 : i32
      %dma_start3A_68 = arith.constant 0 : i32
      %dma_start3A_69 = tpu.memref_slice %arg2[%dma_start3A_67, %dma_start3A_68] : memref<5000x128xf32, #tpu.memory_space<hbm>> -> memref<5000x128xf32, #tpu.memory_space<hbm>>
      tpu.enqueue_indirect_dma source(%dma_start3A_69 : memref<5000x128xf32, #tpu.memory_space<hbm>>) target(%arg13 : memref<80x128xf32, #tpu.memory_space<vmem>>) offsets(%arg9 : memref<80xi32, #tpu.memory_space<vmem>>) semaphore(%arg17 : memref<!tpu.dma_semaphore, #tpu.memory_space<semaphore_mem>>)
      "tpu.region"() ({
        %run_scoped3A = tpu.sem_alloc : memref<!tpu.dma_semaphore, #tpu.memory_space<semaphore_mem>>
        %dma_start3A_91 = arith.constant 0 : i32
        %dma_start3A_92 = arith.constant 0 : i32
        %dma_start3A_93 = tpu.memref_slice %arg15[%dma_start3A_91, %dma_start3A_92] : memref<5000x128xf32, #tpu.memory_space<vmem_shared>> -> memref<5000x128xf32, #tpu.memory_space<vmem_shared>>
        tpu.enqueue_indirect_dma source(%arg12 : memref<80x128xf32, #tpu.memory_space<vmem>>) target(%dma_start3A_93 : memref<5000x128xf32, #tpu.memory_space<vmem_shared>>) offsets(%arg10 : memref<80xi32, #tpu.memory_space<vmem>>) semaphore(%run_scoped3A : memref<!tpu.dma_semaphore, #tpu.memory_space<semaphore_mem>>) {add = true}
        %dma_wait3A_94 = arith.constant 0 : i32
        %dma_wait3A_95 = arith.constant 0 : i32
        %dma_wait3A_96 = tpu.memref_slice %arg15[%dma_wait3A_94, %dma_wait3A_95] : memref<5000x128xf32, #tpu.memory_space<vmem_shared>> -> memref<5000x128xf32, #tpu.memory_space<vmem_shared>>
        tpu.wait_indirect_dma semaphore(%run_scoped3A : memref<!tpu.dma_semaphore, #tpu.memory_space<semaphore_mem>>) src(%arg12 : memref<80x128xf32, #tpu.memory_space<vmem>>) dst(%dma_wait3A_96 : memref<5000x128xf32, #tpu.memory_space<vmem_shared>>)
        tpu.yield
      }) : () -> ()
      "tpu.region"() ({
        %run_scoped3A = tpu.sem_alloc : memref<!tpu.dma_semaphore, #tpu.memory_space<semaphore_mem>>
        %dma_start3A_91 = arith.constant 0 : i32
        %dma_start3A_92 = arith.constant 0 : i32
        %dma_start3A_93 = tpu.memref_slice %arg16[%dma_start3A_91, %dma_start3A_92] : memref<5000x128xf32, #tpu.memory_space<vmem_shared>> -> memref<5000x128xf32, #tpu.memory_space<vmem_shared>>
        tpu.enqueue_indirect_dma source(%arg14 : memref<80x128xf32, #tpu.memory_space<vmem>>) target(%dma_start3A_93 : memref<5000x128xf32, #tpu.memory_space<vmem_shared>>) offsets(%arg10 : memref<80xi32, #tpu.memory_space<vmem>>) semaphore(%run_scoped3A : memref<!tpu.dma_semaphore, #tpu.memory_space<semaphore_mem>>) {add = true}
        %dma_wait3A_94 = arith.constant 0 : i32
        %dma_wait3A_95 = arith.constant 0 : i32
        %dma_wait3A_96 = tpu.memref_slice %arg16[%dma_wait3A_94, %dma_wait3A_95] : memref<5000x128xf32, #tpu.memory_space<vmem_shared>> -> memref<5000x128xf32, #tpu.memory_space<vmem_shared>>
        tpu.wait_indirect_dma semaphore(%run_scoped3A : memref<!tpu.dma_semaphore, #tpu.memory_space<semaphore_mem>>) src(%arg14 : memref<80x128xf32, #tpu.memory_space<vmem>>) dst(%dma_wait3A_96 : memref<5000x128xf32, #tpu.memory_space<vmem_shared>>)
        tpu.yield
      }) : () -> ()
      %add3A_70 = arith.constant 2 : i32
      %add3A_71 = arith.addi %mul3A_47, %add3A_70 : i32
      %lt3A = arith.constant 125 : i32
      %lt3A_72 = arith.cmpi slt, %add3A_71, %lt3A : i32
      %convert_element_type3A = arith.extui %lt3A_72 : i1 to i32
      %cond3A = arith.constant 0 : i32
      %cond3A_73 = arith.cmpi ne, %convert_element_type3A, %cond3A : i32
      scf.if %cond3A_73 {
        %add3A_91 = arith.constant 2 : i32
        %add3A_92 = arith.addi %mul3A_47, %add3A_91 : i32
        %mul3A_93 = arith.constant 10000 : i32
        %mul3A_94 = arith.muli %add3A, %mul3A_93 : i32
        %mul3A_95 = arith.constant 80 : i32
        %mul3A_96 = arith.muli %add3A_92, %mul3A_95 : i32
        %add3A_97 = arith.addi %mul3A_94, %mul3A_96 : i32
        %dma_start3A_98 = tpu.memref_slice %arg3[%add3A_97] : memref<320000xi32, #tpu.memory_space<hbm>> -> memref<80xi32, #tpu.memory_space<hbm>>
        %dma_start3A_99 = tpu.memref_slice %arg3[%add3A_97] : memref<320000xi32, #tpu.memory_space<hbm>> -> memref<80xi32, #tpu.memory_space<hbm>>
        tpu.enqueue_dma source(%dma_start3A_99 : memref<80xi32, #tpu.memory_space<hbm>>) target(%arg8 : memref<80xi32, #tpu.memory_space<vmem>>) target_semaphore(%arg18 : memref<!tpu.dma_semaphore, #tpu.memory_space<semaphore_mem>>)
        %mul3A_100 = arith.constant 10000 : i32
        %mul3A_101 = arith.muli %add3A, %mul3A_100 : i32
        %mul3A_102 = arith.constant 80 : i32
        %mul3A_103 = arith.muli %add3A_92, %mul3A_102 : i32
        %add3A_104 = arith.addi %mul3A_101, %mul3A_103 : i32
        %dma_start3A_105 = tpu.memref_slice %arg4[%add3A_104] : memref<320000xi32, #tpu.memory_space<hbm>> -> memref<80xi32, #tpu.memory_space<hbm>>
        %dma_start3A_106 = tpu.memref_slice %arg4[%add3A_104] : memref<320000xi32, #tpu.memory_space<hbm>> -> memref<80xi32, #tpu.memory_space<hbm>>
        tpu.enqueue_dma source(%dma_start3A_106 : memref<80xi32, #tpu.memory_space<hbm>>) target(%arg10 : memref<80xi32, #tpu.memory_space<vmem>>) target_semaphore(%arg18 : memref<!tpu.dma_semaphore, #tpu.memory_space<semaphore_mem>>)
      } else {
      }
      %dma_wait3A_74 = arith.constant 0 : i32
      %dma_wait3A_75 = arith.constant 0 : i32
      %dma_wait3A_76 = tpu.memref_slice %arg2[%dma_wait3A_74, %dma_wait3A_75] : memref<5000x128xf32, #tpu.memory_space<hbm>> -> memref<5000x128xf32, #tpu.memory_space<hbm>>
      tpu.wait_indirect_dma semaphore(%arg17 : memref<!tpu.dma_semaphore, #tpu.memory_space<semaphore_mem>>) src(%dma_wait3A_76 : memref<5000x128xf32, #tpu.memory_space<hbm>>) dst(%arg13 : memref<80x128xf32, #tpu.memory_space<vmem>>)
      %add3A_77 = arith.constant 2 : i32
      %add3A_78 = arith.addi %mul3A_47, %add3A_77 : i32
      %lt3A_79 = arith.constant 125 : i32
      %lt3A_80 = arith.cmpi slt, %add3A_78, %lt3A_79 : i32
      %convert_element_type3A_81 = arith.extui %lt3A_80 : i1 to i32
      %cond3A_82 = arith.constant 0 : i32
      %cond3A_83 = arith.cmpi ne, %convert_element_type3A_81, %cond3A_82 : i32
      scf.if %cond3A_83 {
        %add3A_91 = arith.constant 2 : i32
        %add3A_92 = arith.addi %mul3A_47, %add3A_91 : i32
        %mul3A_93 = arith.constant 10000 : i32
        %mul3A_94 = arith.muli %add3A, %mul3A_93 : i32
        %mul3A_95 = arith.constant 80 : i32
        %mul3A_96 = arith.muli %add3A_92, %mul3A_95 : i32
        %add3A_97 = arith.addi %mul3A_94, %mul3A_96 : i32
        %dma_wait3A_98 = tpu.memref_slice %arg3[%add3A_97] : memref<320000xi32, #tpu.memory_space<hbm>> -> memref<80xi32, #tpu.memory_space<hbm>>
        %dma_wait3A_99 = tpu.memref_slice %arg3[%add3A_97] : memref<320000xi32, #tpu.memory_space<hbm>> -> memref<80xi32, #tpu.memory_space<hbm>>
        tpu.wait_dma2 semaphore(%arg18 : memref<!tpu.dma_semaphore, #tpu.memory_space<semaphore_mem>>) src(%dma_wait3A_99 : memref<80xi32, #tpu.memory_space<hbm>>) dst(%arg8 : memref<80xi32, #tpu.memory_space<vmem>>)
        %mul3A_100 = arith.constant 10000 : i32
        %mul3A_101 = arith.muli %add3A, %mul3A_100 : i32
        %mul3A_102 = arith.constant 80 : i32
        %mul3A_103 = arith.muli %add3A_92, %mul3A_102 : i32
        %add3A_104 = arith.addi %mul3A_101, %mul3A_103 : i32
        %dma_wait3A_105 = tpu.memref_slice %arg4[%add3A_104] : memref<320000xi32, #tpu.memory_space<hbm>> -> memref<80xi32, #tpu.memory_space<hbm>>
        %dma_wait3A_106 = tpu.memref_slice %arg4[%add3A_104] : memref<320000xi32, #tpu.memory_space<hbm>> -> memref<80xi32, #tpu.memory_space<hbm>>
        tpu.wait_dma2 semaphore(%arg18 : memref<!tpu.dma_semaphore, #tpu.memory_space<semaphore_mem>>) src(%dma_wait3A_106 : memref<80xi32, #tpu.memory_space<hbm>>) dst(%arg10 : memref<80xi32, #tpu.memory_space<vmem>>)
        %dma_start3A_107 = arith.constant 0 : i32
        %dma_start3A_108 = arith.constant 0 : i32
        %dma_start3A_109 = tpu.memref_slice %arg2[%dma_start3A_107, %dma_start3A_108] : memref<5000x128xf32, #tpu.memory_space<hbm>> -> memref<5000x128xf32, #tpu.memory_space<hbm>>
        tpu.enqueue_indirect_dma source(%dma_start3A_109 : memref<5000x128xf32, #tpu.memory_space<hbm>>) target(%arg12 : memref<80x128xf32, #tpu.memory_space<vmem>>) offsets(%arg8 : memref<80xi32, #tpu.memory_space<vmem>>) semaphore(%arg17 : memref<!tpu.dma_semaphore, #tpu.memory_space<semaphore_mem>>)
      } else {
      }
      "tpu.region"() ({
        %run_scoped3A = tpu.sem_alloc : memref<!tpu.dma_semaphore, #tpu.memory_space<semaphore_mem>>
        %dma_start3A_91 = arith.constant 0 : i32
        %dma_start3A_92 = arith.constant 0 : i32
        %dma_start3A_93 = tpu.memref_slice %arg15[%dma_start3A_91, %dma_start3A_92] : memref<5000x128xf32, #tpu.memory_space<vmem_shared>> -> memref<5000x128xf32, #tpu.memory_space<vmem_shared>>
        tpu.enqueue_indirect_dma source(%arg13 : memref<80x128xf32, #tpu.memory_space<vmem>>) target(%dma_start3A_93 : memref<5000x128xf32, #tpu.memory_space<vmem_shared>>) offsets(%arg11 : memref<80xi32, #tpu.memory_space<vmem>>) semaphore(%run_scoped3A : memref<!tpu.dma_semaphore, #tpu.memory_space<semaphore_mem>>) {add = true}
        %dma_wait3A_94 = arith.constant 0 : i32
        %dma_wait3A_95 = arith.constant 0 : i32
        %dma_wait3A_96 = tpu.memref_slice %arg15[%dma_wait3A_94, %dma_wait3A_95] : memref<5000x128xf32, #tpu.memory_space<vmem_shared>> -> memref<5000x128xf32, #tpu.memory_space<vmem_shared>>
        tpu.wait_indirect_dma semaphore(%run_scoped3A : memref<!tpu.dma_semaphore, #tpu.memory_space<semaphore_mem>>) src(%arg13 : memref<80x128xf32, #tpu.memory_space<vmem>>) dst(%dma_wait3A_96 : memref<5000x128xf32, #tpu.memory_space<vmem_shared>>)
        tpu.yield
      }) : () -> ()
      "tpu.region"() ({
        %run_scoped3A = tpu.sem_alloc : memref<!tpu.dma_semaphore, #tpu.memory_space<semaphore_mem>>
        %dma_start3A_91 = arith.constant 0 : i32
        %dma_start3A_92 = arith.constant 0 : i32
        %dma_start3A_93 = tpu.memref_slice %arg16[%dma_start3A_91, %dma_start3A_92] : memref<5000x128xf32, #tpu.memory_space<vmem_shared>> -> memref<5000x128xf32, #tpu.memory_space<vmem_shared>>
        tpu.enqueue_indirect_dma source(%arg14 : memref<80x128xf32, #tpu.memory_space<vmem>>) target(%dma_start3A_93 : memref<5000x128xf32, #tpu.memory_space<vmem_shared>>) offsets(%arg11 : memref<80xi32, #tpu.memory_space<vmem>>) semaphore(%run_scoped3A : memref<!tpu.dma_semaphore, #tpu.memory_space<semaphore_mem>>) {add = true}
        %dma_wait3A_94 = arith.constant 0 : i32
        %dma_wait3A_95 = arith.constant 0 : i32
        %dma_wait3A_96 = tpu.memref_slice %arg16[%dma_wait3A_94, %dma_wait3A_95] : memref<5000x128xf32, #tpu.memory_space<vmem_shared>> -> memref<5000x128xf32, #tpu.memory_space<vmem_shared>>
        tpu.wait_indirect_dma semaphore(%run_scoped3A : memref<!tpu.dma_semaphore, #tpu.memory_space<semaphore_mem>>) src(%arg14 : memref<80x128xf32, #tpu.memory_space<vmem>>) dst(%dma_wait3A_96 : memref<5000x128xf32, #tpu.memory_space<vmem_shared>>)
        tpu.yield
      }) : () -> ()
      %add3A_84 = arith.constant 3 : i32
      %add3A_85 = arith.addi %mul3A_47, %add3A_84 : i32
      %lt3A_86 = arith.constant 125 : i32
      %lt3A_87 = arith.cmpi slt, %add3A_85, %lt3A_86 : i32
      %convert_element_type3A_88 = arith.extui %lt3A_87 : i1 to i32
      %cond3A_89 = arith.constant 0 : i32
      %cond3A_90 = arith.cmpi ne, %convert_element_type3A_88, %cond3A_89 : i32
      scf.if %cond3A_90 {
        %add3A_91 = arith.constant 3 : i32
        %add3A_92 = arith.addi %mul3A_47, %add3A_91 : i32
        %mul3A_93 = arith.constant 10000 : i32
        %mul3A_94 = arith.muli %add3A, %mul3A_93 : i32
        %mul3A_95 = arith.constant 80 : i32
        %mul3A_96 = arith.muli %add3A_92, %mul3A_95 : i32
        %add3A_97 = arith.addi %mul3A_94, %mul3A_96 : i32
        %dma_start3A_98 = tpu.memref_slice %arg3[%add3A_97] : memref<320000xi32, #tpu.memory_space<hbm>> -> memref<80xi32, #tpu.memory_space<hbm>>
        %dma_start3A_99 = tpu.memref_slice %arg3[%add3A_97] : memref<320000xi32, #tpu.memory_space<hbm>> -> memref<80xi32, #tpu.memory_space<hbm>>
        tpu.enqueue_dma source(%dma_start3A_99 : memref<80xi32, #tpu.memory_space<hbm>>) target(%arg9 : memref<80xi32, #tpu.memory_space<vmem>>) target_semaphore(%arg18 : memref<!tpu.dma_semaphore, #tpu.memory_space<semaphore_mem>>)
        %mul3A_100 = arith.constant 10000 : i32
        %mul3A_101 = arith.muli %add3A, %mul3A_100 : i32
        %mul3A_102 = arith.constant 80 : i32
        %mul3A_103 = arith.muli %add3A_92, %mul3A_102 : i32
        %add3A_104 = arith.addi %mul3A_101, %mul3A_103 : i32
        %dma_start3A_105 = tpu.memref_slice %arg4[%add3A_104] : memref<320000xi32, #tpu.memory_space<hbm>> -> memref<80xi32, #tpu.memory_space<hbm>>
        %dma_start3A_106 = tpu.memref_slice %arg4[%add3A_104] : memref<320000xi32, #tpu.memory_space<hbm>> -> memref<80xi32, #tpu.memory_space<hbm>>
        tpu.enqueue_dma source(%dma_start3A_106 : memref<80xi32, #tpu.memory_space<hbm>>) target(%arg11 : memref<80xi32, #tpu.memory_space<vmem>>) target_semaphore(%arg18 : memref<!tpu.dma_semaphore, #tpu.memory_space<semaphore_mem>>)
      } else {
      }
    }
    %scan3A_36 = arith.constant 62 : i32
    %dma_wait3A = arith.constant 0 : i32
    %dma_wait3A_37 = arith.constant 0 : i32
    %dma_wait3A_38 = tpu.memref_slice %arg2[%dma_wait3A, %dma_wait3A_37] : memref<5000x128xf32, #tpu.memory_space<hbm>> -> memref<5000x128xf32, #tpu.memory_space<hbm>>
    tpu.wait_indirect_dma semaphore(%arg17 : memref<!tpu.dma_semaphore, #tpu.memory_space<semaphore_mem>>) src(%dma_wait3A_38 : memref<5000x128xf32, #tpu.memory_space<hbm>>) dst(%arg12 : memref<80x128xf32, #tpu.memory_space<vmem>>)
    "tpu.region"() ({
      %run_scoped3A = tpu.sem_alloc : memref<!tpu.dma_semaphore, #tpu.memory_space<semaphore_mem>>
      %dma_start3A_45 = arith.constant 0 : i32
      %dma_start3A_46 = arith.constant 0 : i32
      %dma_start3A_47 = tpu.memref_slice %arg15[%dma_start3A_45, %dma_start3A_46] : memref<5000x128xf32, #tpu.memory_space<vmem_shared>> -> memref<5000x128xf32, #tpu.memory_space<vmem_shared>>
      tpu.enqueue_indirect_dma source(%arg12 : memref<80x128xf32, #tpu.memory_space<vmem>>) target(%dma_start3A_47 : memref<5000x128xf32, #tpu.memory_space<vmem_shared>>) offsets(%arg10 : memref<80xi32, #tpu.memory_space<vmem>>) semaphore(%run_scoped3A : memref<!tpu.dma_semaphore, #tpu.memory_space<semaphore_mem>>) {add = true}
      %dma_wait3A_48 = arith.constant 0 : i32
      %dma_wait3A_49 = arith.constant 0 : i32
      %dma_wait3A_50 = tpu.memref_slice %arg15[%dma_wait3A_48, %dma_wait3A_49] : memref<5000x128xf32, #tpu.memory_space<vmem_shared>> -> memref<5000x128xf32, #tpu.memory_space<vmem_shared>>
      tpu.wait_indirect_dma semaphore(%run_scoped3A : memref<!tpu.dma_semaphore, #tpu.memory_space<semaphore_mem>>) src(%arg12 : memref<80x128xf32, #tpu.memory_space<vmem>>) dst(%dma_wait3A_50 : memref<5000x128xf32, #tpu.memory_space<vmem_shared>>)
      tpu.yield
    }) : () -> ()
    "tpu.region"() ({
      %run_scoped3A = tpu.sem_alloc : memref<!tpu.dma_semaphore, #tpu.memory_space<semaphore_mem>>
      %dma_start3A_45 = arith.constant 0 : i32
      %dma_start3A_46 = arith.constant 0 : i32
      %dma_start3A_47 = tpu.memref_slice %arg16[%dma_start3A_45, %dma_start3A_46] : memref<5000x128xf32, #tpu.memory_space<vmem_shared>> -> memref<5000x128xf32, #tpu.memory_space<vmem_shared>>
      tpu.enqueue_indirect_dma source(%arg14 : memref<80x128xf32, #tpu.memory_space<vmem>>) target(%dma_start3A_47 : memref<5000x128xf32, #tpu.memory_space<vmem_shared>>) offsets(%arg10 : memref<80xi32, #tpu.memory_space<vmem>>) semaphore(%run_scoped3A : memref<!tpu.dma_semaphore, #tpu.memory_space<semaphore_mem>>) {add = true}
      %dma_wait3A_48 = arith.constant 0 : i32
      %dma_wait3A_49 = arith.constant 0 : i32
      %dma_wait3A_50 = tpu.memref_slice %arg16[%dma_wait3A_48, %dma_wait3A_49] : memref<5000x128xf32, #tpu.memory_space<vmem_shared>> -> memref<5000x128xf32, #tpu.memory_space<vmem_shared>>
      tpu.wait_indirect_dma semaphore(%run_scoped3A : memref<!tpu.dma_semaphore, #tpu.memory_space<semaphore_mem>>) src(%arg14 : memref<80x128xf32, #tpu.memory_space<vmem>>) dst(%dma_wait3A_50 : memref<5000x128xf32, #tpu.memory_space<vmem_shared>>)
      tpu.yield
    }) : () -> ()
    %barrier3A_39 = arith.constant 0 : index
    tpu.barrier barrier_id(%barrier3A_39)
    %scan3A_40 = arith.constant 0 : i32
    %scan3A_41 = arith.constant 2 : i32
    %scan3A_42 = arith.addi %scan3A_40, %scan3A_41 : i32
    %scan3A_43 = arith.constant 1 : i32
    scf.for %scan3A_45 = %scan3A_40 to %scan3A_42 step %scan3A_43  : i32 {
      %mul3A_46 = arith.constant 16 : i32
      %mul3A_47 = arith.muli %mul3A_46, %scan3A_45 : i32
      %add3A_48 = arith.addi %arg1, %mul3A_47 : i32
      %lt3A = arith.constant 25 : i32
      %lt3A_49 = arith.cmpi slt, %add3A_48, %lt3A : i32
      %convert_element_type3A = arith.extui %lt3A_49 : i1 to i32
      %cond3A = arith.constant 0 : i32
      %cond3A_50 = arith.cmpi ne, %convert_element_type3A, %cond3A : i32
      scf.if %cond3A_50 {
        %mul3A_51 = arith.constant 200 : i32
        %mul3A_52 = arith.muli %add3A_48, %mul3A_51 : i32
        "tpu.region"() ({
          %run_scoped3A = tpu.sem_alloc : memref<!tpu.dma_semaphore, #tpu.memory_space<semaphore_mem>>
          %dma_start3A_53 = arith.constant 0 : i32
          %dma_start3A_54 = tpu.memref_slice %arg6[%arg0, %mul3A_52, %dma_start3A_53] : memref<2x5000x128xf32, #tpu.memory_space<hbm>> -> memref<1x200x128xf32, #tpu.memory_space<hbm>>
          %dma_start3A_55 = tpu.memref_squeeze %dma_start3A_54 : memref<1x200x128xf32, #tpu.memory_space<hbm>> -> memref<200x128xf32, #tpu.memory_space<hbm>>
          %dma_start3A_56 = arith.constant 0 : i32
          %dma_start3A_57 = tpu.memref_slice %arg15[%mul3A_52, %dma_start3A_56] : memref<5000x128xf32, #tpu.memory_space<vmem_shared>> -> memref<200x128xf32, #tpu.memory_space<vmem_shared>>
          tpu.enqueue_dma source(%dma_start3A_57 : memref<200x128xf32, #tpu.memory_space<vmem_shared>>) target(%dma_start3A_55 : memref<200x128xf32, #tpu.memory_space<hbm>>) target_semaphore(%run_scoped3A : memref<!tpu.dma_semaphore, #tpu.memory_space<semaphore_mem>>)
          %dma_wait3A_58 = arith.constant 0 : i32
          %dma_wait3A_59 = tpu.memref_slice %arg6[%arg0, %mul3A_52, %dma_wait3A_58] : memref<2x5000x128xf32, #tpu.memory_space<hbm>> -> memref<1x200x128xf32, #tpu.memory_space<hbm>>
          %dma_wait3A_60 = tpu.memref_squeeze %dma_wait3A_59 : memref<1x200x128xf32, #tpu.memory_space<hbm>> -> memref<200x128xf32, #tpu.memory_space<hbm>>
          %dma_wait3A_61 = arith.constant 0 : i32
          %dma_wait3A_62 = tpu.memref_slice %arg15[%mul3A_52, %dma_wait3A_61] : memref<5000x128xf32, #tpu.memory_space<vmem_shared>> -> memref<200x128xf32, #tpu.memory_space<vmem_shared>>
          tpu.wait_dma2 semaphore(%run_scoped3A : memref<!tpu.dma_semaphore, #tpu.memory_space<semaphore_mem>>) src(%dma_wait3A_62 : memref<200x128xf32, #tpu.memory_space<vmem_shared>>) dst(%dma_wait3A_60 : memref<200x128xf32, #tpu.memory_space<hbm>>)
          tpu.yield
        }) : () -> ()
        "tpu.region"() ({
          %run_scoped3A = tpu.sem_alloc : memref<!tpu.dma_semaphore, #tpu.memory_space<semaphore_mem>>
          %dma_start3A_53 = arith.constant 0 : i32
          %dma_start3A_54 = tpu.memref_slice %arg7[%arg0, %mul3A_52, %dma_start3A_53] : memref<2x5000x128xf32, #tpu.memory_space<hbm>> -> memref<1x200x128xf32, #tpu.memory_space<hbm>>
          %dma_start3A_55 = tpu.memref_squeeze %dma_start3A_54 : memref<1x200x128xf32, #tpu.memory_space<hbm>> -> memref<200x128xf32, #tpu.memory_space<hbm>>
          %dma_start3A_56 = arith.constant 0 : i32
          %dma_start3A_57 = tpu.memref_slice %arg16[%mul3A_52, %dma_start3A_56] : memref<5000x128xf32, #tpu.memory_space<vmem_shared>> -> memref<200x128xf32, #tpu.memory_space<vmem_shared>>
          tpu.enqueue_dma source(%dma_start3A_57 : memref<200x128xf32, #tpu.memory_space<vmem_shared>>) target(%dma_start3A_55 : memref<200x128xf32, #tpu.memory_space<hbm>>) target_semaphore(%run_scoped3A : memref<!tpu.dma_semaphore, #tpu.memory_space<semaphore_mem>>)
          %dma_wait3A_58 = arith.constant 0 : i32
          %dma_wait3A_59 = tpu.memref_slice %arg7[%arg0, %mul3A_52, %dma_wait3A_58] : memref<2x5000x128xf32, #tpu.memory_space<hbm>> -> memref<1x200x128xf32, #tpu.memory_space<hbm>>
          %dma_wait3A_60 = tpu.memref_squeeze %dma_wait3A_59 : memref<1x200x128xf32, #tpu.memory_space<hbm>> -> memref<200x128xf32, #tpu.memory_space<hbm>>
          %dma_wait3A_61 = arith.constant 0 : i32
          %dma_wait3A_62 = tpu.memref_slice %arg16[%mul3A_52, %dma_wait3A_61] : memref<5000x128xf32, #tpu.memory_space<vmem_shared>> -> memref<200x128xf32, #tpu.memory_space<vmem_shared>>
          tpu.wait_dma2 semaphore(%run_scoped3A : memref<!tpu.dma_semaphore, #tpu.memory_space<semaphore_mem>>) src(%dma_wait3A_62 : memref<200x128xf32, #tpu.memory_space<vmem_shared>>) dst(%dma_wait3A_60 : memref<200x128xf32, #tpu.memory_space<hbm>>)
          tpu.yield
        }) : () -> ()
      } else {
      }
    }
    %scan3A_44 = arith.constant 2 : i32
    return
  }
}

module attributes {stable_mosaic.version = 14 : i64} {
  func.func @_merge_tc_body(%arg0: i32, %arg1: memref<2x1000x128xf32, #tpu.memory_space<vmem>>, %arg2: memref<2x1000x128xf32, #tpu.memory_space<vmem>>, %arg3: memref<1000x128xf32, #tpu.memory_space<vmem>>) attributes {dimension_semantics = [#tpu.dimension_semantics<arbitrary>], iteration_bounds = array<i64: 5>, scalar_prefetch = 0 : i64, scratch_operands = 0 : i64, tpu.core_type = #tpu.core_type<tc>, window_params = [{transform_indices = @transform_0, window_bounds = array<i64: 2, 1000, 128>}, {transform_indices = @transform_1, window_bounds = array<i64: 2, 1000, 128>}, {transform_indices = @transform_2, window_bounds = array<i64: 1000, 128>}]} {
    %get3A = arith.constant 0 : index
    %get3A_0 = arith.constant 0 : index
    %get3A_1 = arith.constant 0 : index
    %get3A_2 = vector.load %arg1[%get3A, %get3A_0, %get3A_1] : memref<2x1000x128xf32, #tpu.memory_space<vmem>>, vector<1x1000x128xf32>
    %get3A_3 = vector.shape_cast %get3A_2 : vector<1x1000x128xf32> to vector<1000x128xf32>
    %get3A_4 = arith.constant 1 : index
    %get3A_5 = arith.constant 0 : index
    %get3A_6 = arith.constant 0 : index
    %get3A_7 = vector.load %arg1[%get3A_4, %get3A_5, %get3A_6] : memref<2x1000x128xf32, #tpu.memory_space<vmem>>, vector<1x1000x128xf32>
    %get3A_8 = vector.shape_cast %get3A_7 : vector<1x1000x128xf32> to vector<1000x128xf32>
    %add3A = arith.addf %get3A_3, %get3A_8 : vector<1000x128xf32>
    %get3A_9 = arith.constant 0 : index
    %get3A_10 = arith.constant 0 : index
    %get3A_11 = arith.constant 0 : index
    %get3A_12 = vector.load %arg2[%get3A_9, %get3A_10, %get3A_11] : memref<2x1000x128xf32, #tpu.memory_space<vmem>>, vector<1x1000x128xf32>
    %get3A_13 = vector.shape_cast %get3A_12 : vector<1x1000x128xf32> to vector<1000x128xf32>
    %get3A_14 = arith.constant 1 : index
    %get3A_15 = arith.constant 0 : index
    %get3A_16 = arith.constant 0 : index
    %get3A_17 = vector.load %arg2[%get3A_14, %get3A_15, %get3A_16] : memref<2x1000x128xf32, #tpu.memory_space<vmem>>, vector<1x1000x128xf32>
    %get3A_18 = vector.shape_cast %get3A_17 : vector<1x1000x128xf32> to vector<1000x128xf32>
    %add3A_19 = arith.addf %get3A_13, %get3A_18 : vector<1000x128xf32>
    %max3A = arith.constant 1.000000e+00 : f32
    %max3A_20 = vector.broadcast %max3A : f32 to vector<1000x128xf32>
    %max3A_21 = arith.maximumf %add3A_19, %max3A_20 : vector<1000x128xf32>
    %div3A = arith.divf %add3A, %max3A_21 : vector<1000x128xf32>
    %swap3A = arith.constant 0 : index
    %swap3A_22 = arith.constant 0 : index
    %swap3A_23 = vector.load %arg3[%swap3A, %swap3A_22] : memref<1000x128xf32, #tpu.memory_space<vmem>>, vector<1000x128xf32>
    tpu.vector_store %arg3[%swap3A, %swap3A_22], %div3A {strides = array<i32>} : memref<1000x128xf32, #tpu.memory_space<vmem>>, vector<1000x128xf32>,
    return
  }
  func.func @transform_0(%arg0: i32) -> (i32, i32, i32) {
    %c0_i32 = arith.constant 0 : i32
    %c0_i32_0 = arith.constant 0 : i32
    %c0_i32_1 = arith.constant 0 : i32
    return %c0_i32, %arg0, %c0_i32_0 : i32, i32, i32
  }
  func.func @transform_1(%arg0: i32) -> (i32, i32, i32) {
    %c0_i32 = arith.constant 0 : i32
    %c0_i32_0 = arith.constant 0 : i32
    %c0_i32_1 = arith.constant 0 : i32
    return %c0_i32, %arg0, %c0_i32_0 : i32, i32, i32
  }
  func.func @transform_2(%arg0: i32) -> (i32, i32) {
    %c0_i32 = arith.constant 0 : i32
    %c0_i32_0 = arith.constant 0 : i32
    return %arg0, %c0_i32 : i32, i32
  }
}

</mosaic_0001>

<sc_bundles>
// kernel: kernel.4.cloned.1.call-start
scs
__scs_entry_jumppad:
0x0: {  	(pc) =	sbr.rel $0x88, $3  }
0x1: {  	(tag) =	ssettag $0x0;
	lr =	simm.s32 $0x1  }
0x2: {  	[smem:$0x3F9F] =	sst lr;
	_ =	strace $0xD0000000  }
0x3: {  	_ = 	snop  }
0x4: {  	_ = 	snop  }
0x5: {  	_ = 	snop  }
0x6: {  	_ = 	snop  }
0x7: {  	_ = 	snop  }
__scs_overlays_trampoline_lowered:
0x8: {  	[smem:$0x3FAE] =	sst s0  }
0x9: {  	[smem:$0x3FAF] =	sst s1  }
0xa: {  	[smem:$0x3FB0] =	sst s2  }
0xb: {  	[smem:$0x3FB1] =	sst s3  }
0xc: {  	[smem:$0x3FB2] =	sst s4  }
0xd: {  	[smem:$0x3FB3] =	sst s5  }
0xe: {  	[smem:$0x3FB4] =	sst s6  }
0xf: {  	[smem:$0x3FB5] =	sst s7  }
0x10: {  	[smem:$0x3FB6] =	sst s8  }
0x11: {  	[smem:$0x3FB7] =	sst s9;
	s0 =	simm.s32 @!p0 $0x0  }
0x12: {  	s1 =	sld [smem:$0x3F9D];
	s0 =	simm.s32 @p0 $0x1  }
0x13: {  	[smem:$0x3FB8] =	sst s0;
	s0 =	simm.s32 @!p1 $0x0  }
0x14: {  	s2 =	sld [smem:$0x3F9C];
	s0 =	simm.s32 @p1 $0x1  }
0x15: {  	[smem:$0x3FB9] =	sst s0;
	s0 =	simm.s32 @!p2 $0x0  }
0x16: {  	s3 =	sld [smem:$0x3FDB];
	s0 =	simm.s32 @p2 $0x1  }
0x17: {  	s4 =	simm.s32 $0x1BF5;
	[smem:$0x3FBB] =	sst s0  }
0x18: {  	s0 =	sld [smem:$0x3F9E];
	_ =	swait.ge [sflag:s4], $0x0  }
0x19: {  	s7 =	sld [smem:$0x3F9F]  }
0x1a: {  	s8 =	sadd.s32 $0xFFFFE003, lr  }
0x1b: {  	s9 =	sadd.s32 $0xFFFFFEF7, lr;
	s5 =	simm.s32 $0xFFFFFFFF;
	p2 =	slt.u32 s8, $0xFFFFF086  }
0x1c: {  	p1 =	slt.u32 s9, $0xF7A;
	s5 =	simm.s32 @!p2 $0x0  }
0x1d: {  	s5 =	simm.s32 @p1 $0x1;
	p0 =	seq.s32 s7, s2  }
0x1e: {  	s7 =	smul.u32 @!p0 $0xF7A, s2;
	p2 =	seq.s32 @!p0 s5, $0x0  }
0x1f: {  	s9 =	smul.u32 $0xF7A, s1;
	s8 =	simm.s32 @!p0 $0x1BF5;
	p2 =	por !p2, p0  }
0x20: {  	[sflag:s8] =	ssyncset.s32 @!p0 $0xFFFFF086;
	s6 =	sadd.s32 @!p0 s3, s7;
	s7 =	simm.s32 @!p0 $0x108  }
0x21: {  	s3 =	sadd.s32 s3, s9;
	s6 =	sadd.s32 @!p0 $0x88, s6;
	s7 =	simm.s32 @p2 $0x1082  }
0x22: {  	[simem:s7], [sflag:s8] =	dma.local @!p0 [hbm:s6], $0xF7A  }
0x23: {  	s9 =	sor.u32 $0xD0000000, s2;
	s6 =	simm.s32 $0x108;
	_ =	swait.ge @!p0 [sflag:s8], $0x0  }
0x24: {  	s3 =	sadd.s32 $0x88, s3;
	s6 =	simm.s32 @!p1 $0x1082;
	[sflag:s4] =	ssyncset.s32 $0xFFFFF086  }
0x25: {  	[simem:s6], [sflag:s4] =	dma.local [hbm:s3], $0xF7A  }
0x26: {  	[smem:$0x3F9F] =	sst s1;
	(tag) =	ssettag s2;
	_ =	strace s9  }
0x27: {  	s1 =	sld [smem:$0x3FAF]  }
0x28: {  	s2 =	sld [smem:$0x3FB0]  }
0x29: {  	s4 =	sld [smem:$0x3FB2]  }
0x2a: {  	p0 =	seq.s32 s5, $0x0;
	s5 =	sld [smem:$0x3FB3]  }
0x2b: {  	s6 =	sld [smem:$0x3FB4]  }
0x2c: {  	s7 =	sld [smem:$0x3FB5]  }
0x2d: {  	s3 =	simm.s32 $0x108;
	s8 =	sld [smem:$0x3FB6]  }
0x2e: {  	s3 =	simm.s32 @!p0 $0x1082;
	s9 =	sld [smem:$0x3FB7]  }
0x2f: {  	lr =	sadd.s32 s0, s3;
	s0 =	sld [smem:$0x3FAE]  }
0x30: {  	s3 =	sld [smem:$0x3FB1]  }
0x31: {  	[smem:$0x3FBA] =	sst s10  }
0x32: {  	s10 =	sld [smem:$0x3FB8];
	_ =	sdelay $0x3  }
0x33: {  	p0 =	seq.s32 s10, $0x1;
	s10 =	sld [smem:$0x3FBA];
	_ =	sdelay $0x3  }
0x34: {  	[smem:$0x3FBA] =	sst s10  }
0x35: {  	s10 =	sld [smem:$0x3FB9];
	_ =	sdelay $0x3  }
0x36: {  	p1 =	seq.s32 s10, $0x1;
	s10 =	sld [smem:$0x3FBA];
	_ =	sdelay $0x3  }
0x37: {  	[smem:$0x3FBA] =	sst s10  }
0x38: {  	s10 =	sld [smem:$0x3FBB]  }
0x39: {  	_ = 	snop;
	(pc) =	sbr.ind lr, $3  }
0x3a: {  	_ = 	snop  }
0x3b: {  	_ = 	snop  }
0x3c: {  	p2 =	seq.s32 s10, $0x1;
	s10 =	sld [smem:$0x3FBA]  }
0x3d: {  	_ =	shalt  }
0x3e: {  	_ =	shalt  }
0x3f: {  	_ =	shalt  }
0x40: {  	_ =	shalt  }
0x41: {  	_ =	shalt  }
0x42: {  	_ =	shalt  }
0x43: {  	_ =	shalt  }
0x44: {  	_ =	shalt  }
0x45: {  	_ =	shalt  }
0x46: {  	_ =	shalt  }
0x47: {  	_ =	shalt  }
0x48: {  	_ =	shalt  }
0x49: {  	_ =	shalt  }
0x4a: {  	_ =	shalt  }
0x4b: {  	_ =	shalt  }
0x4c: {  	_ =	shalt  }
0x4d: {  	_ =	shalt  }
0x4e: {  	_ =	shalt  }
0x4f: {  	_ =	shalt  }
0x50: {  	_ =	shalt  }
0x51: {  	_ =	shalt  }
0x52: {  	_ =	shalt  }
0x53: {  	_ =	shalt  }
0x54: {  	_ =	shalt  }
0x55: {  	_ =	shalt  }
0x56: {  	_ =	shalt  }
0x57: {  	_ =	shalt  }
0x58: {  	_ =	shalt  }
0x59: {  	_ =	shalt  }
0x5a: {  	_ =	shalt  }
0x5b: {  	_ =	shalt  }
0x5c: {  	_ =	shalt  }
0x5d: {  	_ =	shalt  }
0x5e: {  	_ =	shalt  }
0x5f: {  	_ =	shalt  }
0x60: {  	_ =	shalt  }
0x61: {  	_ =	shalt  }
0x62: {  	_ =	shalt  }
0x63: {  	_ =	shalt  }
0x64: {  	_ =	shalt  }
0x65: {  	_ =	shalt  }
0x66: {  	_ =	shalt  }
0x67: {  	_ =	shalt  }
0x68: {  	_ =	shalt  }
0x69: {  	_ =	shalt  }
0x6a: {  	_ =	shalt  }
0x6b: {  	_ =	shalt  }
0x6c: {  	_ =	shalt  }
0x6d: {  	_ =	shalt  }
0x6e: {  	_ =	shalt  }
0x6f: {  	_ =	shalt  }
0x70: {  	_ =	shalt  }
0x71: {  	_ =	shalt  }
0x72: {  	_ =	shalt  }
0x73: {  	_ =	shalt  }
0x74: {  	_ =	shalt  }
0x75: {  	_ =	shalt  }
0x76: {  	_ =	shalt  }
0x77: {  	_ =	shalt  }
0x78: {  	_ =	shalt  }
0x79: {  	_ =	shalt  }
0x7a: {  	_ =	shalt  }
0x7b: {  	_ =	shalt  }
0x7c: {  	_ =	shalt  }
0x7d: {  	_ =	shalt  }
0x7e: {  	_ =	shalt  }
0x7f: {  	_ =	shalt  }
0x80: {  	_ =	shalt  }
0x81: {  	_ =	shalt  }
0x82: {  	_ =	shalt  }
0x83: {  	_ =	shalt  }
0x84: {  	_ =	shalt  }
0x85: {  	_ =	shalt  }
0x86: {  	_ =	shalt  }
0x87: {  	_ =	shalt  }
.Lfunc_end0:
.L_simem_size_0:
called_computation_lowered:
.L_overlay_start_0:
0x88: {  	s2 =	sld [smem:$0x3FD9]  }
0x89: {  	s3 =	sld [smem:$0x3FFE];
	_ =	sdelay $0x1  }
0x8a: {  	s1 =	srdreg.scid  }
0x8b: {  	s0 =	sand.u32 $0x1, s1  }
0x8c: {  	s17 =	sshll.u32 s0, $0xA;
	s2 =	sadd.s32 s3, s2  }
0x8d: {  	s2 =	sadd.s32 s2, s17  }
0x8e: {  	[smem:$0x3FC6] =	sst s2  }
0x8f: {  	_ = 	snop  }
0x90: {  	s2 =	sld [smem:$0x3FC9]  }
0x91: {  	s18 =	sld [smem:$0x3FD0];
	(tm) =	ssettm $0x1  }
0x92: {  	s4 =	sld [smem:$0x3FFB];
	_ =	sdelay $0x3  }
0x93: {  	_ =	strace s4  }
0x94: {  	s4 =	sld [smem:$0x3FFC];
	_ =	sdelay $0x3  }
0x95: {  	_ =	strace s4  }
0x96: {  	s4 =	sld [smem:$0x3FFD];
	_ =	sdelay $0x3  }
0x97: {  	_ =	strace s4  }
0x98: {  	_ =	strace $0x8FFFFFFF  }
0x99: {  	s19 =	sld [smem:$0x3FDB];
	_ =	sdelay $0x1  }
0x9a: {  	s5 =	simm.s32 $_scs_section_size  }
0x9b: {  	s6 =	simm.s32 $_size__tile_overlayer_lowered;
	s7 =	simm.s32 $_tile_overlayer_lowered  }
0x9c: {  	s22 =	simm.s32 $0x1BFF;
	s21 =	sshll.u32 s7, $0x1;
	s4 =	sadd.s32 s5, s19  }
0x9d: {  	s8 =	simm.s32 $0x0;
	s20 =	sshll.u32 s6, $0x1;
	s6 =	sadd.s32 s21, s4  }
0x9e: {  	[timem:s8], [sflag:s22] =	dma.local [hbm:s6], s20  }
0x9f: {  	_ =	swait.ge [sflag:s22], s20  }
0xa0: {  	s5 =	ssub.s32 $0x0, s20;
	[sflag:s22] =	ssyncset.done $0x0  }
0xa1: {  	[sflag:s22] =	ssyncadd.s32 s5;
	_ =	sdelay $0x1  }
0xa2: {  	s23 =	simm.s32 $0x1B8B  }
0xa3: {  	_ =	swait.ge [sflag:s23], $0x1  }
0xa4: {  	[sflag:s23] =	ssyncset.done $0x0  }
0xa5: {  	s25 =	simm.s32 $0x1B8E;
	s24 =	sld [smem:$0x3FFE];
	[sflag:s23] =	ssyncadd.s32 $0xFFFFFFFF  }
0xa6: {  	s26 =	simm.s32 $execute0_lowered;
	[smem:$0x3FD2] =	sst s25  }
0xa7: {  	s6 =	sshll.u32 s26, $0x1;
	_ =	strace $0x80000046;
	[dreg:$0x1] =	wrdreg $0xFFFFFFFF  }
0xa8: {  	s28 =	simm.s32 $_size_execute0_lowered;
	s4 =	sadd.s32 s4, s6;
	[dreg:$0x0] =	wrdreg $0x0  }
0xa9: {  	s6 =	sshll.u32 s28, $0x1;
	[dreg:$0x2] =	wrdreg s4  }
0xaa: {  	[dreg:$0x3] =	wrdreg s6  }
0xab: {  	[dreg:$0x4] =	wrdreg $0xC0  }
0xac: {  	_ =	task [dreg:s8], $0x5FFFF  }
0xad: {  	[dreg:$0x1] =	wrdreg $0xFFFFFFFF  }
0xae: {  	[dreg:$0x0] =	wrdreg $0x60  }
0xaf: {  	[dreg:$0x2] =	wrdreg s2  }
0xb0: {  	[dreg:$0x3] =	wrdreg s24  }
0xb1: {  	[dreg:$0x4] =	wrdreg s18  }
0xb2: {  	[dreg:$0x5] =	wrdreg $0x7A000  }
0xb3: {  	[dreg:$0x6] =	wrdreg $0x116400  }
0xb4: {  	[dreg:$0x7] =	wrdreg $0x9  }
0xb5: {  	_ =	task.clear_ibuf [dreg:s8], $0x8FFFF;
	_ =	strace $0x90000046  }
0xb6: {  	s29 =	simm.s32 $0x9;
	_ =	strace $0x80000048  }
0xb7: {  	_ =	swait.ge [sflag:s29], $0x1  }
0xb8: {  	[sflag:s29] =	ssyncadd.s32 $0xFFFFFFFF  }
0xb9: {  	_ =	strace $0x90000048  }
0xba: {  	_ =	sfence  }
0xbb: {  	s30 =	sld [smem:$0x0];
	_ =	sdelay $0x2  }
0xbc: {  	s31 =	sshll.u32 s1, $0xD;
	s1 =	sshrl.u32 s1, $0x2  }
0xbd: {  	s3 =	sand.u32 $0x4000, s31;
	s1 =	sadd.s32 s1, s30  }
0xbe: {  	s0 =	sor.u32 s3, s0;
	s1 =	sshll.u32 s1, $0x11  }
0xbf: {  	s0 =	sor.u32 s1, s0  }
0xc0: {  	s0 =	sadd.s32 $0x8F2B, s0  }
0xc1: {  	[sflag:s0] =	ssyncadd.remote.s32 $0x1  }
0xc2: {  	_ =	sfence.sel $0xFFFF  }
0xc3: {  	[dreg:$0x0] =	wrdreg $0xFFFFFFFF;
	(pc) =	sbr.abs _section_cstart, $3  }
0xc4: {  	[dreg:$0x1] =	wrdreg $0xFFFFFFFF  }
0xc5: {  	_ =	task.clear_ibuf [dreg:s8], $0x2FFFF;
	_ =	strace $0x9FFFFFFF  }
0xc6: {  	(tm) =	ssettm $0x7FFFFFFF  }
0xc7: {  	_ =	shalt  }
tec
execute0_lowered:
.L_overlay_start_1:
0x0: {  	(tag) =	ssettag $0x1  }
0x1: {  	s1 =	rddreg [dreg:$0x0]  }
0x2: {  	s0 =	rddreg [dreg:$0x1]  }
0x3: {  	s2 =	rddreg [dreg:$0x2]  }
0x4: {  	s3 =	rddreg [dreg:$0x3]  }
0x5: {  	s5 =	rddreg [dreg:$0x4];
	s6 =	simm.s32 $0x0  }
0x6: {  	s4 =	srdreg.scid;
	s16 =	stileid.u32;
	s31 =	simm.s32 $0x3  }
0x7: {  	[smem:$0x7FF] =	sst s6;
	s4 =	sand.u32 $0x1, s4;
	s14 =	smul.u32 $0x6400, s16  }
0x8: {  	s7 =	sshll.u32 s16, $0x1;
	s11 =	sadd.s32 $0xB000, s0;
	s30 =	smul.u32 $0x4E20, s16  }
0x9: {  	s15 =	sor.u32 $0x10, s16;
	_ =	strace $0x80000047;
	s25 =	smul.u32 $0x9C400, s4  }
0xa: {  	s8 =	sor.u32 s4, s7;
	s7 =	sadd.s32 $0x400, s0;
	s26 =	smul.u32 $0x6400, s15  }
0xb: {  	s9 =	ssub.s32 $0x2, s4;
	s4 =	smul.u32 $0x2710, s4;
	p0 =	sgt.u32 s15, $0x18  }
0xc: {  	s15 =	simm.s32 $0x5200;
	s10 =	smul.u32 $0x2710, s8;
	s8 =	sadd.s32 $0xA200, s0  }
0xd: {  	s12 =	sshrl.u32 s9, $0x1;
	s0 =	sadd.s32 $0x32200, s0;
	s28 =	sadd.s32 s14, s3  }
0xe: {  	s18 =	sadd.s32 s14, s5;
	s9 =	ssub.s32 s9, s12;
	[dreg:$0xb] =	wrdreg s28  }
0xf: {  	[dreg:$0xc] =	wrdreg s18;
	s19 =	sadd.s32 s26, s3;
	s14 =	sadd.s32 s25, s14  }
0x10: {  	s12 =	sadd.s32 s25, s26;
	s4 =	sadd.s32 s4, s30;
	s28 =	sshll.u32 s16, $0x6  }
0x11: {  	s16 =	simm.s32 $0x0;
	s10 =	sshrl.u32 s10, $0x3;
	[dreg:$0xd] =	wrdreg s19  }
0x12: {  	s9 =	smax.u32 s9, $0x1;
	s20 =	sshrl.u32 s14, $0x3;
	[dreg:$0x15] =	wrdreg s28  }
0x13: {  	s30 =	sadd.s32 $0xA0, s4;
	s29 =	sor.u32 $0x1C04, s28;
	[dreg:$0xa] =	wrdreg s9  }
0x14: {  	s14 =	simm.s32 $0x2A00;
	s23 =	sadd.s32 s7, s10;
	[dreg:$0x16] =	wrdreg s30  }
0x15: {  	s24 =	sadd.s32 s2, s10;
	s13 =	sadd.s32 $0xA, s10;
	[dreg:$0x6] =	wrdreg s23  }
0x16: {  	s10 =	sadd.s32 $0x4D8, s10;
	s21 =	sadd.s32 s11, s20;
	[dreg:$0x7] =	wrdreg s24  }
0x17: {  	s22 =	sadd.s32 s0, s20;
	s9 =	simm.s32 $0x200;
	[dreg:$0xf] =	wrdreg s21  }
0x18: {  	s17 =	sadd.s32 s7, s13;
	s13 =	sadd.s32 s2, s13;
	[dreg:$0x10] =	wrdreg s22  }
0x19: {  	s23 =	sshrl.u32 s12, $0x3;
	s24 =	sadd.s32 $0xF0, s4;
	[dreg:$0x8] =	wrdreg s17  }
0x1a: {  	s25 =	sadd.s32 s7, s10;
	s22 =	simm.s32 $0x4;
	[dreg:$0x9] =	wrdreg s13  }
0x1b: {  	s4 =	simm.s32 $0x50;
	s13 =	sadd.s32 s26, s5;
	[dreg:$0x13] =	wrdreg s25  }
0x1c: {  	s12 =	simm.s32 $0x1;
	s11 =	sadd.s32 s11, s23;
	[dreg:$0xe] =	wrdreg s13  }
0x1d: {  	s0 =	sadd.s32 s0, s23;
	s26 =	sadd.s32 s2, s10;
	[dreg:$0x11] =	wrdreg s11  }
0x1e: {  	s10 =	simm.s32 $0x80;
	[dreg:$0x12] =	wrdreg s0;
	s0 =	sshrl.u32 s24, $0x3  }
0x1f: {  	[dreg:$0x14] =	wrdreg s26;
	s11 =	simm.s32 $0x180;
	s13 =	simm.s32 $0x2  }
0x20: {  	v0 =	vimm.f32 $1.000000000e+00;
	s25 =	sadd.s32 s0, s2;
	s26 =	sadd.s32 s0, s7;
	s0 =	simm.s32 $0x100  }
.LBB2_1:
0x21: {  	s17 =	simm.s32 $0x0;
	s18 =	simm.s32 $0x200  }
.LBB2_2:
0x22: {  	p1 =	sne.s32 s18, $0x9E00;
	[tilespmem:s17+$0x5270] =	vst v0  }
0x23: {  	[tilespmem:s17+$0x5200] =	vst v0  }
0x24: {  	[tilespmem:s17+$0x5210] =	vst v0  }
.Ltmp0:
0x25: {  	[tilespmem:s17+$0x5220] =	vst v0;
	(pc) =	sbr.rel @p1 .LBB2_2-.Ltmp0, $4  }
0x26: {  	[tilespmem:s17+$0x5230] =	vst v0  }
0x27: {  	[tilespmem:s17+$0x5240] =	vst v0  }
0x28: {  	[tilespmem:s17+$0x5250] =	vst v0  }
0x29: {  	[tilespmem:s17+$0x5260] =	vst v0;
	s17 =	sshra.s32 s18, $0x2;
	s18 =	sadd.s32 $0x200, s18  }
0x2a: {  	[tilespmem:s17+$0x5270] =	vst v0  }
0x2b: {  	[tilespmem:s17+$0x5200] =	vst v0  }
0x2c: {  	[tilespmem:s17+$0x5210] =	vst v0  }
0x2d: {  	[tilespmem:s17+$0x5220] =	vst v0  }
0x2e: {  	[tilespmem:s17+$0x5230] =	vst v0  }
0x2f: {  	[tilespmem:s17+$0x5240] =	vst v0  }
0x30: {  	[tilespmem:s17+$0x5250] =	vst v0;
	s24 =	rddreg [dreg:$0xb]  }
0x31: {  	[tilespmem:s17+$0x5260] =	vst v0;
	s18 =	sshrl.u32 s24, $0x3  }
0x32: {  	[spmem:s18], [sflag:s29] =	dma.local [hbm:s8], $0xC80  }
0x33: {  	_ =	swait.ge [sflag:s22], $0xC80  }
0x34: {  	s28 =	rddreg [dreg:$0x15]  }
0x35: {  	[sflag:s22] =	ssyncset.done $0x0;
	s19 =	rddreg [dreg:$0xc]  }
0x36: {  	[sflag:s22] =	ssyncadd.s32 $0xFFFFF380;
	s17 =	sor.u32 $0x1C03, s28;
	s19 =	sshrl.u32 s19, $0x3  }
0x37: {  	[spmem:s19], [sflag:s17] =	dma.local [hbm:s8], $0xC80  }
0x38: {  	_ =	swait.ge [sflag:s31], $0xC80  }
0x39: {  	[sflag:s31] =	ssyncset.done $0x0;
	s20 =	rddreg [dreg:$0xd]  }
0x3a: {  	s21 =	simm.s32 @!p0 $0x4;
	[sflag:s31] =	ssyncadd.s32 $0xFFFFF380;
	s20 =	sshrl.u32 @!p0 s20, $0x3  }
0x3b: {  	[spmem:s20], [sflag:s29] =	dma.local @!p0 [hbm:s8], $0xC80  }
0x3c: {  	_ =	swait.ge @!p0 [sflag:s21], $0xC80  }
0x3d: {  	[sflag:s21] =	ssyncset.done @!p0 $0x0  }
0x3e: {  	[sflag:s21] =	ssyncadd.s32 @!p0 $0xFFFFF380;
	s21 =	rddreg [dreg:$0xe]  }
0x3f: {  	s22 =	simm.s32 @!p0 $0x3;
	s21 =	sshrl.u32 @!p0 s21, $0x3  }
0x40: {  	[spmem:s21], [sflag:s17] =	dma.local @!p0 [hbm:s8], $0xC80  }
0x41: {  	_ =	swait.ge @!p0 [sflag:s22], $0xC80  }
0x42: {  	[sflag:s22] =	ssyncset.done @!p0 $0x0  }
0x43: {  	[sflag:s22] =	ssyncadd.s32 @!p0 $0xFFFFF380  }
0x44: {  	[bflag:$0x0] =	sbarrier.arrive $0xFFFF  }
0x45: {  	s22 =	simm.s32 $0x0;
	s23 =	rddreg [dreg:$0x6]  }
0x46: {  	[tilespmem:s22], [sflag:$0x3] =	stream.linear.gather [hbm4b:s23+s22], $0x50, $0x38;
	[tilespmem:$0x1B280] =	vst v63  }
0x47: {  	_ =	swait.ge [sflag:s31], $0x50  }
0x48: {  	[sflag:s31] =	ssyncset.done $0x0  }
0x49: {  	s30 =	rddreg [dreg:$0x7];
	[sflag:s31] =	ssyncadd.s32 $0xFFFFFFB0  }
0x4a: {  	[tilespmem:s0], [sflag:$0x3] =	stream.linear.gather [hbm4b:s30+s22], $0x50, $0x38;
	[tilespmem:$0x1B280] =	vst v63  }
0x4b: {  	_ =	swait.ge [sflag:s31], $0x50  }
0x4c: {  	[sflag:s31] =	ssyncset.done $0x0  }
0x4d: {  	[sflag:s31] =	ssyncadd.s32 $0xFFFFFFB0  }
0x4e: {  	[tilespmem:s9], [sflag:$0x1] =	stream.indirect.gather [hbm4b:s1+s4], $0x80, s22, s4, $0xb8;
	[tilespmem:$0x1B280] =	vst v63  }
0x4f: {  	s24 =	rddreg [dreg:$0x8]  }
0x50: {  	[tilespmem:s10], [sflag:$0x2] =	stream.linear.gather [hbm4b:s24+s22], $0x50, $0x38;
	[tilespmem:$0x1B280] =	vst v63  }
0x51: {  	s28 =	rddreg [dreg:$0x9]  }
0x52: {  	[tilespmem:s11], [sflag:$0x2] =	stream.linear.gather [hbm4b:s28+s22], $0x50, $0x38;
	[tilespmem:$0x1B280] =	vst v63  }
0x53: {  	_ =	swait.ge [sflag:s12], $0x2800  }
0x54: {  	[sflag:s12] =	ssyncset.done $0x0  }
0x55: {  	[sflag:s12] =	ssyncadd.s32 $0xFFFFD800  }
0x56: {  	_ =	swait.ge [sflag:s13], $0x50  }
0x57: {  	[sflag:s13] =	ssyncset.done $0x0  }
0x58: {  	[sflag:s13] =	ssyncadd.s32 $0xFFFFFFB0  }
0x59: {  	_ =	swait.ge [sflag:s13], $0x50  }
0x5a: {  	[sflag:s13] =	ssyncset.done $0x0  }
0x5b: {  	[sflag:s13] =	ssyncadd.s32 $0xFFFFFFB0  }
0x5c: {  	[tilespmem:s14], [sflag:$0x1] =	stream.indirect.gather [hbm4b:s1+s4], $0x80, s10, s4, $0xb8;
	[tilespmem:$0x1B280] =	vst v63  }
0x5d: {  	_ = 	snop  }
0x5e: {  	[spmem:s3] =	stream.indirect.scatter.add.f32 [tilespmem:s9], [sflag:$0x3], $0x80, s0, s4, $0xb8;
	[tilespmem:$0x1B280] =	vst v63  }
0x5f: {  	_ =	swait.ge [sflag:s31], $0x2800  }
0x60: {  	[sflag:s31] =	ssyncset.done $0x0  }
0x61: {  	[sflag:s31] =	ssyncadd.s32 $0xFFFFD800  }
0x62: {  	[spmem:s5] =	stream.indirect.scatter.add.f32 [tilespmem:s15], [sflag:$0x3], $0x80, s0, s4, $0xb8;
	[tilespmem:$0x1B280] =	vst v63  }
0x63: {  	_ =	swait.ge [sflag:s31], $0x2800  }
0x64: {  	s28 =	rddreg [dreg:$0x16]  }
0x65: {  	[sflag:s31] =	ssyncset.done $0x0;
	s30 =	sshrl.u32 s28, $0x3  }
0x66: {  	[sflag:s31] =	ssyncadd.s32 $0xFFFFD800;
	s24 =	sadd.s32 s7, s30  }
0x67: {  	[tilespmem:s6], [sflag:$0x2] =	stream.linear.gather [hbm4b:s24+s6], $0x50, $0x38;
	[tilespmem:$0x1B280] =	vst v63  }
0x68: {  	s22 =	sadd.s32 s2, s30  }
0x69: {  	[tilespmem:s0], [sflag:$0x2] =	stream.linear.gather [hbm4b:s22+s6], $0x50, $0x38;
	[tilespmem:$0x1B280] =	vst v63  }
0x6a: {  	_ =	swait.ge [sflag:s12], $0x2800  }
0x6b: {  	[sflag:s12] =	ssyncset.done $0x0  }
0x6c: {  	[sflag:s12] =	ssyncadd.s32 $0xFFFFD800  }
0x6d: {  	_ =	swait.ge [sflag:s13], $0x50  }
0x6e: {  	[sflag:s13] =	ssyncset.done $0x0  }
0x6f: {  	[sflag:s13] =	ssyncadd.s32 $0xFFFFFFB0  }
0x70: {  	_ =	swait.ge [sflag:s13], $0x50  }
0x71: {  	[sflag:s13] =	ssyncset.done $0x0  }
0x72: {  	[sflag:s13] =	ssyncadd.s32 $0xFFFFFFB0  }
0x73: {  	[tilespmem:s9], [sflag:$0x1] =	stream.indirect.gather [hbm4b:s1+s4], $0x80, s6, s4, $0xb8;
	[tilespmem:$0x1B280] =	vst v63  }
0x74: {  	_ = 	snop  }
0x75: {  	[spmem:s3] =	stream.indirect.scatter.add.f32 [tilespmem:s14], [sflag:$0x3], $0x80, s11, s4, $0xb8;
	[tilespmem:$0x1B280] =	vst v63  }
0x76: {  	_ =	swait.ge [sflag:s31], $0x2800  }
0x77: {  	[sflag:s31] =	ssyncset.done $0x0  }
0x78: {  	[sflag:s31] =	ssyncadd.s32 $0xFFFFD800  }
0x79: {  	[spmem:s5] =	stream.indirect.scatter.add.f32 [tilespmem:s15], [sflag:$0x3], $0x80, s11, s4, $0xb8;
	[tilespmem:$0x1B280] =	vst v63  }
0x7a: {  	_ =	swait.ge [sflag:s31], $0x2800  }
0x7b: {  	s23 =	sadd.s32 $0xA0, s28;
	s30 =	sadd.s32 $0x0, s26;
	[sflag:s31] =	ssyncset.done $0x0  }
0x7c: {  	s24 =	sadd.s32 $0x0, s25;
	s22 =	simm.s32 $0x14;
	[sflag:s31] =	ssyncadd.s32 $0xFFFFD800  }
0x7d: {  	[tilespmem:s10], [sflag:$0x2] =	stream.linear.gather [hbm4b:s30+s6], $0x50, $0x38;
	[tilespmem:$0x1B280] =	vst v63  }
.LBB2_4:
0x7e: {  	[tilespmem:s11], [sflag:$0x2] =	stream.linear.gather [hbm4b:s24+s6], $0x50, $0x38;
	[tilespmem:$0x1B280] =	vst v63  }
0x7f: {  	s24 =	smov.u32 s22  }
0x80: {  	p1 =	sne.s32 s22, $0x4B0;
	s22 =	sadd.s32 $0x14, s22;
	_ =	swait.ge [sflag:s12], $0x2800  }
0x81: {  	[sflag:s12] =	ssyncset.done $0x0  }
0x82: {  	[sflag:s12] =	ssyncadd.s32 $0xFFFFD800  }
0x83: {  	_ =	swait.ge [sflag:s13], $0x50  }
0x84: {  	[sflag:s13] =	ssyncset.done $0x0  }
0x85: {  	[sflag:s13] =	ssyncadd.s32 $0xFFFFFFB0  }
0x86: {  	_ =	swait.ge [sflag:s13], $0x50  }
0x87: {  	[sflag:s13] =	ssyncset.done $0x0  }
0x88: {  	[sflag:s13] =	ssyncadd.s32 $0xFFFFFFB0  }
0x89: {  	[tilespmem:s14], [sflag:$0x1] =	stream.indirect.gather [hbm4b:s1+s4], $0x80, s10, s4, $0xb8;
	[tilespmem:$0x1B280] =	vst v63  }
0x8a: {  	_ = 	snop  }
0x8b: {  	[spmem:s3] =	stream.indirect.scatter.add.f32 [tilespmem:s9], [sflag:$0x3], $0x80, s0, s4, $0xb8;
	[tilespmem:$0x1B280] =	vst v63  }
0x8c: {  	_ =	swait.ge [sflag:s31], $0x2800  }
0x8d: {  	[sflag:s31] =	ssyncset.done $0x0  }
0x8e: {  	[sflag:s31] =	ssyncadd.s32 $0xFFFFD800  }
0x8f: {  	[spmem:s5] =	stream.indirect.scatter.add.f32 [tilespmem:s15], [sflag:$0x3], $0x80, s0, s4, $0xb8;
	[tilespmem:$0x1B280] =	vst v63  }
0x90: {  	_ =	swait.ge [sflag:s31], $0x2800  }
0x91: {  	s28 =	sshrl.u32 s23, $0x3;
	[sflag:s31] =	ssyncset.done $0x0  }
0x92: {  	s30 =	sadd.s32 s7, s28;
	[sflag:s31] =	ssyncadd.s32 $0xFFFFD800  }
0x93: {  	[tilespmem:s6], [sflag:$0x2] =	stream.linear.gather [hbm4b:s30+s6], $0x50, $0x38;
	[tilespmem:$0x1B280] =	vst v63  }
0x94: {  	s28 =	sadd.s32 s2, s28  }
0x95: {  	[tilespmem:s0], [sflag:$0x2] =	stream.linear.gather [hbm4b:s28+s6], $0x50, $0x38;
	[tilespmem:$0x1B280] =	vst v63  }
0x96: {  	_ =	swait.ge [sflag:s12], $0x2800  }
0x97: {  	[sflag:s12] =	ssyncset.done $0x0  }
0x98: {  	[sflag:s12] =	ssyncadd.s32 $0xFFFFD800  }
0x99: {  	_ =	swait.ge [sflag:s13], $0x50  }
0x9a: {  	[sflag:s13] =	ssyncset.done $0x0  }
0x9b: {  	[sflag:s13] =	ssyncadd.s32 $0xFFFFFFB0  }
0x9c: {  	_ =	swait.ge [sflag:s13], $0x50  }
0x9d: {  	[sflag:s13] =	ssyncset.done $0x0  }
0x9e: {  	[sflag:s13] =	ssyncadd.s32 $0xFFFFFFB0  }
0x9f: {  	[tilespmem:s9], [sflag:$0x1] =	stream.indirect.gather [hbm4b:s1+s4], $0x80, s6, s4, $0xb8;
	[tilespmem:$0x1B280] =	vst v63  }
0xa0: {  	_ = 	snop  }
0xa1: {  	[spmem:s3] =	stream.indirect.scatter.add.f32 [tilespmem:s14], [sflag:$0x3], $0x80, s11, s4, $0xb8;
	[tilespmem:$0x1B280] =	vst v63  }
0xa2: {  	_ =	swait.ge [sflag:s31], $0x2800  }
0xa3: {  	[sflag:s31] =	ssyncset.done $0x0  }
0xa4: {  	[sflag:s31] =	ssyncadd.s32 $0xFFFFD800  }
0xa5: {  	[spmem:s5] =	stream.indirect.scatter.add.f32 [tilespmem:s15], [sflag:$0x3], $0x80, s11, s4, $0xb8;
	[tilespmem:$0x1B280] =	vst v63  }
.Ltmp1:
0xa6: {  	_ =	swait.ge [sflag:s31], $0x2800;
	(pc) =	sbr.rel @p1 .LBB2_4-.Ltmp1, $4  }
0xa7: {  	[sflag:s31] =	ssyncset.done $0x0  }
0xa8: {  	s28 =	sadd.s32 s24, s26;
	[sflag:s31] =	ssyncadd.s32 $0xFFFFD800  }
0xa9: {  	[tilespmem:s10], [sflag:$0x2] =	stream.linear.gather [hbm4b:s28+s6], $0x50, $0x38;
	[tilespmem:$0x1B280] =	vst v63  }
0xaa: {  	s23 =	sadd.s32 $0xA0, s23;
	s24 =	sadd.s32 s24, s25  }
0xab: {  	[tilespmem:s11], [sflag:$0x2] =	stream.linear.gather [hbm4b:s24+s6], $0x50, $0x38;
	[tilespmem:$0x1B280] =	vst v63  }
0xac: {  	_ =	swait.ge [sflag:s12], $0x2800  }
0xad: {  	[sflag:s12] =	ssyncset.done $0x0  }
0xae: {  	[sflag:s12] =	ssyncadd.s32 $0xFFFFD800  }
0xaf: {  	_ =	swait.ge [sflag:s13], $0x50  }
0xb0: {  	[sflag:s13] =	ssyncset.done $0x0  }
0xb1: {  	[sflag:s13] =	ssyncadd.s32 $0xFFFFFFB0  }
0xb2: {  	_ =	swait.ge [sflag:s13], $0x50  }
0xb3: {  	[sflag:s13] =	ssyncset.done $0x0  }
0xb4: {  	[sflag:s13] =	ssyncadd.s32 $0xFFFFFFB0  }
0xb5: {  	[tilespmem:s14], [sflag:$0x1] =	stream.indirect.gather [hbm4b:s1+s4], $0x80, s10, s4, $0xb8;
	[tilespmem:$0x1B280] =	vst v63  }
0xb6: {  	_ = 	snop  }
0xb7: {  	[spmem:s3] =	stream.indirect.scatter.add.f32 [tilespmem:s9], [sflag:$0x3], $0x80, s0, s4, $0xb8;
	[tilespmem:$0x1B280] =	vst v63  }
0xb8: {  	_ =	swait.ge [sflag:s31], $0x2800  }
0xb9: {  	[sflag:s31] =	ssyncset.done $0x0  }
0xba: {  	[sflag:s31] =	ssyncadd.s32 $0xFFFFD800  }
0xbb: {  	[spmem:s5] =	stream.indirect.scatter.add.f32 [tilespmem:s15], [sflag:$0x3], $0x80, s0, s4, $0xb8;
	[tilespmem:$0x1B280] =	vst v63  }
0xbc: {  	_ =	swait.ge [sflag:s31], $0x2800  }
0xbd: {  	[sflag:s31] =	ssyncset.done $0x0  }
0xbe: {  	s22 =	rddreg [dreg:$0x13];
	[sflag:s31] =	ssyncadd.s32 $0xFFFFD800  }
0xbf: {  	[tilespmem:s6], [sflag:$0x2] =	stream.linear.gather [hbm4b:s22+s6], $0x50, $0x38;
	[tilespmem:$0x1B280] =	vst v63  }
0xc0: {  	s23 =	rddreg [dreg:$0x14]  }
0xc1: {  	[tilespmem:s0], [sflag:$0x2] =	stream.linear.gather [hbm4b:s23+s6], $0x50, $0x38;
	[tilespmem:$0x1B280] =	vst v63  }
0xc2: {  	_ =	swait.ge [sflag:s12], $0x2800  }
0xc3: {  	[sflag:s12] =	ssyncset.done $0x0  }
0xc4: {  	[sflag:s12] =	ssyncadd.s32 $0xFFFFD800  }
0xc5: {  	_ =	swait.ge [sflag:s13], $0x50  }
0xc6: {  	[sflag:s13] =	ssyncset.done $0x0  }
0xc7: {  	[sflag:s13] =	ssyncadd.s32 $0xFFFFFFB0  }
0xc8: {  	_ =	swait.ge [sflag:s13], $0x50  }
0xc9: {  	[sflag:s13] =	ssyncset.done $0x0  }
0xca: {  	[sflag:s13] =	ssyncadd.s32 $0xFFFFFFB0  }
0xcb: {  	[tilespmem:s9], [sflag:$0x1] =	stream.indirect.gather [hbm4b:s1+s4], $0x80, s6, s4, $0xb8;
	[tilespmem:$0x1B280] =	vst v63  }
0xcc: {  	_ = 	snop  }
0xcd: {  	[spmem:s3] =	stream.indirect.scatter.add.f32 [tilespmem:s14], [sflag:$0x3], $0x80, s11, s4, $0xb8;
	[tilespmem:$0x1B280] =	vst v63  }
0xce: {  	_ =	swait.ge [sflag:s31], $0x2800  }
0xcf: {  	[sflag:s31] =	ssyncset.done $0x0  }
0xd0: {  	[sflag:s31] =	ssyncadd.s32 $0xFFFFD800  }
0xd1: {  	[spmem:s5] =	stream.indirect.scatter.add.f32 [tilespmem:s15], [sflag:$0x3], $0x80, s11, s4, $0xb8;
	[tilespmem:$0x1B280] =	vst v63  }
0xd2: {  	_ =	swait.ge [sflag:s31], $0x2800  }
0xd3: {  	[sflag:s31] =	ssyncset.done $0x0  }
0xd4: {  	[sflag:s31] =	ssyncadd.s32 $0xFFFFD800  }
0xd5: {  	_ =	swait.ge [sflag:s12], $0x2800  }
0xd6: {  	[sflag:s12] =	ssyncset.done $0x0  }
0xd7: {  	[sflag:s12] =	ssyncadd.s32 $0xFFFFD800  }
0xd8: {  	[spmem:s3] =	stream.indirect.scatter.add.f32 [tilespmem:s9], [sflag:$0x3], $0x80, s0, s4, $0xb8;
	[tilespmem:$0x1B280] =	vst v63  }
0xd9: {  	_ =	swait.ge [sflag:s31], $0x2800  }
0xda: {  	[sflag:s31] =	ssyncset.done $0x0  }
0xdb: {  	[sflag:s31] =	ssyncadd.s32 $0xFFFFD800  }
0xdc: {  	[spmem:s5] =	stream.indirect.scatter.add.f32 [tilespmem:s15], [sflag:$0x3], $0x80, s0, s4, $0xb8;
	[tilespmem:$0x1B280] =	vst v63  }
0xdd: {  	_ =	swait.ge [sflag:s31], $0x2800  }
0xde: {  	[sflag:s31] =	ssyncset.done $0x0  }
0xdf: {  	[sflag:s31] =	ssyncadd.s32 $0xFFFFD800  }
0xe0: {  	[bflag:$0x0] =	sbarrier.arrive $0xFFFF  }
0xe1: {  	s22 =	simm.s32 $0x4;
	s24 =	rddreg [dreg:$0xf]  }
0xe2: {  	[hbm:s24], [sflag:s29] =	dma.local [spmem:s18], $0xC80  }
0xe3: {  	_ =	swait.ge [sflag:s22], $0xC80  }
0xe4: {  	[sflag:s22] =	ssyncset.done $0x0  }
0xe5: {  	s28 =	rddreg [dreg:$0x10];
	[sflag:s22] =	ssyncadd.s32 $0xFFFFF380  }
0xe6: {  	[hbm:s28], [sflag:s17] =	dma.local [spmem:s19], $0xC80  }
0xe7: {  	_ =	swait.ge [sflag:s31], $0xC80  }
0xe8: {  	[sflag:s31] =	ssyncset.done $0x0  }
0xe9: {  	s18 =	rddreg [dreg:$0x11];
	[sflag:s31] =	ssyncadd.s32 $0xFFFFF380  }
0xea: {  	[hbm:s18], [sflag:s29] =	dma.local @!p0 [spmem:s20], $0xC80  }
0xeb: {  	s18 =	simm.s32 @!p0 $0x4  }
0xec: {  	_ =	swait.ge @!p0 [sflag:s18], $0xC80  }
0xed: {  	[sflag:s18] =	ssyncset.done @!p0 $0x0  }
0xee: {  	[sflag:s18] =	ssyncadd.s32 @!p0 $0xFFFFF380;
	s18 =	rddreg [dreg:$0x12]  }
0xef: {  	[hbm:s18], [sflag:s17] =	dma.local @!p0 [spmem:s21], $0xC80  }
0xf0: {  	s17 =	simm.s32 @!p0 $0x3  }
0xf1: {  	_ =	swait.ge @!p0 [sflag:s17], $0xC80  }
0xf2: {  	s16 =	sadd.s32 $0x1, s16;
	s30 =	rddreg [dreg:$0xa]  }
0xf3: {  	p1 =	sne.s32 s16, s30  }
.Ltmp2:
0xf4: {  	_ = 	snop;
	(pc) =	sbr.rel @p1 .LBB2_1-.Ltmp2, $3  }
0xf5: {  	_ =	sdelay $0x1  }
0xf6: {  	[sflag:s17] =	ssyncset.done @!p0 $0x0  }
0xf7: {  	[sflag:s17] =	ssyncadd.s32 @!p0 $0xFFFFF380  }
0xf8: {  	_ =	sfence.sel $0x180000  }
0xf9: {  	[bflag:$0x0] =	sbarrier.arrive $0xFFFF  }
0xfa: {  	_ =	strace $0x90000047  }
0xfb: {  	s0 =	stileid.u32;
	[bflag:$0x2] =	sbarrier.arrive $0xFFFF  }
0xfc: {  	p0 =	sne.s32 s0, $0x0;
	s0 =	rddreg [dreg:$0x5]  }
0xfd: {  	s0 =	sadd.s32 @!p0 $0x100000, s0  }
0xfe: {  	[sflag:s0] =	ssyncadd.tile.s32 @!p0 $0x1;
	_ =	shalt  }
.Lfunc_end2:
_tile_overlayer_lowered:
.L_overlay_start_2:
0xff: {  	(tag) =	ssettag $0x2  }
0x100: {  	s0 =	rddreg [dreg:$0x0];
	s2 =	stileid.u32  }
0x101: {  	s1 =	rddreg [dreg:$0x1];
	p0 =	sne.s32 s2, $0x0  }
0x102: {  	s3 =	rddreg [dreg:$0x2];
	[bflag:$0x3] =	sbarrier.arrive $0xFFFF;
	s2 =	simm.s32 @!p0 $0x1C03  }
0x103: {  	[timem:s3], [sflag:s2] =	dma.local @!p0 [hbm:s0], s1  }
0x104: {  	s0 =	simm.s32 @!p0 $0x3  }
0x105: {  	_ =	swait.ge @!p0 [sflag:s0], s1  }
0x106: {  	s1 =	ssub.s32 @!p0 $0x0, s1;
	[sflag:s0] =	ssyncset.done @!p0 $0x0  }
0x107: {  	[sflag:s0] =	ssyncadd.s32 @!p0 s1  }
0x108: {  	[bflag:$0x3] =	sbarrier.arrive $0xFFFF  }
0x109: {  	_ =	shalt  }

</sc_bundles>
